<compile_context>
chip_gen: v7x
topology: tpu7x:2x2x1
jax: 0.10.2.dev20260603
libtpu: 0.0.44.dev20260713+nightly
codegen_flags: <defaults>
</compile_context>

<pallas_src>
import functools

import jax
import jax.numpy as jnp
from jax import lax
from jax.experimental import pallas as pl
from jax.experimental.pallas import tpu as pltpu
from jax.experimental.pallas import tpu_sc as plsc

VOCAB = 100000
EMB = 128
NCLS = 1000
BATCH = 4096
SEQ = 200

NC, NS = 2, 16
NW = NC * NS
NCHUNK = 1
CB = BATCH // NCHUNK
LANES = 16
NSEG = EMB // LANES
G0 = 128
G1 = SEQ - G0
UNROLL = 4


def _sc_pooled_sum(x_flat, emb, nb):
  SPW = nb // NW
  mesh = plsc.VectorSubcoreMesh(
      core_axis_name="c", subcore_axis_name="s",
      num_cores=NC, num_subcores=NS)

  @functools.partial(
      pl.kernel,
      out_type=jax.ShapeDtypeStruct((nb, EMB), jnp.float32),
      mesh=mesh,
      scratch_types=[
          pltpu.VMEM((SPW * SEQ,), jnp.int32),
          pltpu.VMEM((2, SEQ, EMB), jnp.float32),
          pltpu.VMEM((SPW, EMB), jnp.float32),
          pltpu.SemaphoreType.DMA,
          pltpu.SemaphoreType.DMA,
      ],
  )
  def k(x_hbm, emb_hbm, out_hbm, idx_v, rows_v, out_v, sem0, sem1):
    wid = lax.axis_index("s") * NC + lax.axis_index("c")
    ibase = wid * (SPW * SEQ)
    pltpu.sync_copy(x_hbm.at[pl.ds(ibase, SPW * SEQ)], idx_v)

    def issue(s, slot, sem):
      off = s * SEQ
      pltpu.async_copy(emb_hbm.at[idx_v.at[pl.ds(off, G0)]],
                       rows_v.at[slot].at[pl.ds(0, G0)], sem)
      pltpu.async_copy(emb_hbm.at[idx_v.at[pl.ds(off + G0, G1)]],
                       rows_v.at[slot].at[pl.ds(G0, G1)], sem)

    def wait(slot, sem):
      pltpu.make_async_copy(emb_hbm.at[idx_v.at[pl.ds(0, G0)]],
                            rows_v.at[slot].at[pl.ds(0, G0)], sem).wait()
      pltpu.make_async_copy(emb_hbm.at[idx_v.at[pl.ds(0, G1)]],
                            rows_v.at[slot].at[pl.ds(G0, G1)], sem).wait()

    def accumulate(s, slot):
      def rbody(t, acc):
        base = t * UNROLL
        for u in range(UNROLL):
          acc = tuple(acc[j] + rows_v[slot, base + u, pl.ds(j * LANES, LANES)]
                      for j in range(NSEG))
        return acc
      zero = tuple(jnp.zeros((LANES,), jnp.float32) for _ in range(NSEG))
      acc = lax.fori_loop(0, SEQ // UNROLL, rbody, zero)
      for j in range(NSEG):
        out_v[s, pl.ds(j * LANES, LANES)] = acc[j]

    issue(0, 0, sem0)
    issue(1, 1, sem1)

    def pair_body(i, carry):
      s0 = 2 * i
      wait(0, sem0)
      accumulate(s0, 0)
      issue(s0 + 2, 0, sem0)
      wait(1, sem1)
      accumulate(s0 + 1, 1)
      issue(s0 + 3, 1, sem1)
      return carry

    lax.fori_loop(0, SPW // 2 - 1, pair_body, 0)
    wait(0, sem0)
    accumulate(SPW - 2, 0)
    wait(1, sem1)
    accumulate(SPW - 1, 1)
    pltpu.sync_copy(out_v, out_hbm.at[pl.ds(wid * SPW, SPW)])

  return k(x_flat, emb)


def _tc_head(pooled_sum, W, b2d, nb):
  BB = 512

  def body(p_ref, w_ref, b_ref, o_ref):
    x = p_ref[...].astype(jnp.bfloat16)
    w = (w_ref[...] * (1.0 / SEQ)).astype(jnp.bfloat16)
    z = lax.dot_general(x, w, (((1,), (1,)), ((), ())),
                        preferred_element_type=jnp.float32)
    z = z + b_ref[...]
    m = jnp.max(z, axis=1, keepdims=True)
    e = jnp.exp(z - m)
    lse = jnp.log(jnp.sum(e, axis=1, keepdims=True)) + m
    o_ref[...] = z - lse

  return pl.pallas_call(
      body,
      grid=(nb // BB,),
      in_specs=[
          pl.BlockSpec((BB, EMB), lambda i: (i, 0)),
          pl.BlockSpec((NCLS, EMB), lambda i: (0, 0)),
          pl.BlockSpec((1, NCLS), lambda i: (0, 0)),
      ],
      out_specs=pl.BlockSpec((BB, NCLS), lambda i: (i, 0)),
      out_shape=jax.ShapeDtypeStruct((nb, NCLS), jnp.float32),
  )(pooled_sum, W, b2d)


def kernel(x, emb, W, b):
  x_flat = x.reshape(-1).astype(jnp.int32)
  b2d = b.reshape(1, NCLS)
  sums = [_sc_pooled_sum(x_flat[c * CB * SEQ:(c + 1) * CB * SEQ], emb, CB)
          for c in range(NCHUNK)]
  outs = [_tc_head(s, W, b2d, CB) for s in sums]
  return jnp.concatenate(outs, axis=0)

# --- scband reference (transcript-rebuilt; emitter-appended) ---
"""Pipeline reference for scband-pytorch-fast-text-17849884082189 (READ-ONLY COPY).

The authoritative reference and input builder live on the scoring server;
editing this copy changes nothing except your own understanding.
"""

import jax, jax.numpy as jnp
import numpy as np

VOCAB = 100000
EMB = 128
NUM_CLASSES = 1000
B = 4096
L = 200


def setup_inputs(seed: int = 0) -> dict:
    key = jax.random.key(seed)
    k1, k2, k3, k4 = jax.random.split(key, 4)
    x = jax.random.randint(k1, (B, L), 0, VOCAB, dtype=jnp.int64 if jax.config.read('jax_enable_x64') else jnp.int32)
    # xavier_uniform for embedding [VOCAB, EMB]
    limit_e = float(np.sqrt(6.0 / (VOCAB + EMB)))
    emb = jax.random.uniform(k2, (VOCAB, EMB), dtype=jnp.float32, minval=-limit_e, maxval=limit_e)
    # padding_idx=0 -> row 0 is zero
    emb = emb.at[0].set(0.0)
    # fc1: kaiming-uniform-ish init as in torch Linear defaults
    limit_w = float(np.sqrt(1.0 / EMB))
    W = jax.random.uniform(k3, (NUM_CLASSES, EMB), dtype=jnp.float32, minval=-limit_w, maxval=limit_w)
    b = jax.random.uniform(k4, (NUM_CLASSES,), dtype=jnp.float32, minval=-limit_w, maxval=limit_w)
    return {"x": x, "emb": emb, "W": W, "b": b}


def reference(x, emb, W, b):
    # embedding lookup + mean over sequence dim
    x_embedding = jnp.take(emb, x, axis=0).mean(axis=1)  # [B, EMB]
    # drop_out=0.0 -> no dropout
    out = x_embedding @ W.T + b  # [B, NUM_CLASSES]
    return jax.nn.log_softmax(out, axis=1)

if __name__ == "__main__":
    import jax
    _d = setup_inputs()
    print(jax.jit(kernel)(*tuple(_d.values())))

</pallas_src>

<mosaic_0001>
#map = affine_map<(d0, d1) -> (0)>
#map1 = affine_map<(d0, d1) -> (0, 0)>
module attributes {stable_mosaic.version = 14 : i64} {
  func.func @k(%arg0: i32, %arg1: i32, %arg2: memref<819200xi32, #tpu.memory_space<hbm>>, %arg3: memref<100000x128xf32, #tpu.memory_space<hbm>>, %arg4: memref<4096x128xf32, #tpu.memory_space<hbm>>, %arg5: memref<25600xi32, #tpu.memory_space<vmem>>, %arg6: memref<2x200x128xf32, #tpu.memory_space<vmem>>, %arg7: memref<128x128xf32, #tpu.memory_space<vmem>>, %arg8: memref<!tpu.dma_semaphore, #tpu.memory_space<semaphore_mem>>, %arg9: memref<!tpu.dma_semaphore, #tpu.memory_space<semaphore_mem>>) attributes {dimension_semantics = [#tpu.dimension_semantics<core_parallel>, #tpu.dimension_semantics<subcore_parallel>], iteration_bounds = array<i64: 2, 16>, scalar_prefetch = 0 : i64, scratch_operands = 5 : i64, tpu.core_type = #tpu.core_type<sc_vector_subcore>, window_params = [{transform_indices = #map}, {transform_indices = #map1}, {transform_indices = #map1}]} {
    %mul3A = arith.constant 2 : i32
    %mul3A_0 = arith.muli %arg1, %mul3A : i32
    %add3A = arith.addi %mul3A_0, %arg0 : i32
    %mul3A_1 = arith.constant 25600 : i32
    %mul3A_2 = arith.muli %add3A, %mul3A_1 : i32
    "tpu.region"() ({
      %run_scoped3A = tpu.sem_alloc : memref<!tpu.dma_semaphore, #tpu.memory_space<semaphore_mem>>
      %dma_start3A_250 = tpu.memref_slice %arg2[%mul3A_2] : memref<819200xi32, #tpu.memory_space<hbm>> -> memref<25600xi32, #tpu.memory_space<hbm>>
      %dma_start3A_251 = tpu.memref_slice %arg2[%mul3A_2] : memref<819200xi32, #tpu.memory_space<hbm>> -> memref<25600xi32, #tpu.memory_space<hbm>>
      tpu.enqueue_dma source(%dma_start3A_251 : memref<25600xi32, #tpu.memory_space<hbm>>) target(%arg5 : memref<25600xi32, #tpu.memory_space<vmem>>) target_semaphore(%run_scoped3A : memref<!tpu.dma_semaphore, #tpu.memory_space<semaphore_mem>>)
      %dma_wait3A_252 = tpu.memref_slice %arg2[%mul3A_2] : memref<819200xi32, #tpu.memory_space<hbm>> -> memref<25600xi32, #tpu.memory_space<hbm>>
      %dma_wait3A_253 = tpu.memref_slice %arg2[%mul3A_2] : memref<819200xi32, #tpu.memory_space<hbm>> -> memref<25600xi32, #tpu.memory_space<hbm>>
      tpu.wait_dma2 semaphore(%run_scoped3A : memref<!tpu.dma_semaphore, #tpu.memory_space<semaphore_mem>>) src(%dma_wait3A_253 : memref<25600xi32, #tpu.memory_space<hbm>>) dst(%arg5 : memref<25600xi32, #tpu.memory_space<vmem>>)
      tpu.yield
    }) : () -> ()
    %dma_start3A = arith.constant 0 : i32
    %dma_start3A_3 = arith.constant 0 : i32
    %dma_start3A_4 = arith.constant 0 : i32
    %dma_start3A_5 = tpu.memref_slice %arg6[%dma_start3A, %dma_start3A_3, %dma_start3A_4] : memref<2x200x128xf32, #tpu.memory_space<vmem>> -> memref<1x200x128xf32, #tpu.memory_space<vmem>>
    %dma_start3A_6 = tpu.memref_squeeze %dma_start3A_5 : memref<1x200x128xf32, #tpu.memory_space<vmem>> -> memref<200x128xf32, #tpu.memory_space<vmem>>
    %dma_start3A_7 = arith.constant 0 : i32
    %dma_start3A_8 = arith.constant 0 : i32
    %dma_start3A_9 = tpu.memref_slice %dma_start3A_6[%dma_start3A_7, %dma_start3A_8] : memref<200x128xf32, #tpu.memory_space<vmem>> -> memref<128x128xf32, #tpu.memory_space<vmem>>
    %dma_start3A_10 = arith.constant 0 : i32
    %dma_start3A_11 = tpu.memref_slice %arg5[%dma_start3A_10] : memref<25600xi32, #tpu.memory_space<vmem>> -> memref<128xi32, #tpu.memory_space<vmem>>
    %dma_start3A_12 = arith.constant 0 : i32
    %dma_start3A_13 = arith.constant 0 : i32
    %dma_start3A_14 = tpu.memref_slice %arg3[%dma_start3A_12, %dma_start3A_13] : memref<100000x128xf32, #tpu.memory_space<hbm>> -> memref<100000x128xf32, #tpu.memory_space<hbm>>
    tpu.enqueue_indirect_dma source(%dma_start3A_14 : memref<100000x128xf32, #tpu.memory_space<hbm>>) target(%dma_start3A_9 : memref<128x128xf32, #tpu.memory_space<vmem>>) offsets(%dma_start3A_11 : memref<128xi32, #tpu.memory_space<vmem>>) semaphore(%arg8 : memref<!tpu.dma_semaphore, #tpu.memory_space<semaphore_mem>>)
    %dma_start3A_15 = arith.constant 0 : i32
    %dma_start3A_16 = arith.constant 0 : i32
    %dma_start3A_17 = arith.constant 0 : i32
    %dma_start3A_18 = tpu.memref_slice %arg6[%dma_start3A_15, %dma_start3A_16, %dma_start3A_17] : memref<2x200x128xf32, #tpu.memory_space<vmem>> -> memref<1x200x128xf32, #tpu.memory_space<vmem>>
    %dma_start3A_19 = tpu.memref_squeeze %dma_start3A_18 : memref<1x200x128xf32, #tpu.memory_space<vmem>> -> memref<200x128xf32, #tpu.memory_space<vmem>>
    %dma_start3A_20 = arith.constant 128 : i32
    %dma_start3A_21 = arith.constant 0 : i32
    %dma_start3A_22 = tpu.memref_slice %dma_start3A_19[%dma_start3A_20, %dma_start3A_21] : memref<200x128xf32, #tpu.memory_space<vmem>> -> memref<72x128xf32, #tpu.memory_space<vmem>>
    %dma_start3A_23 = arith.constant 128 : i32
    %dma_start3A_24 = tpu.memref_slice %arg5[%dma_start3A_23] : memref<25600xi32, #tpu.memory_space<vmem>> -> memref<72xi32, #tpu.memory_space<vmem>>
    %dma_start3A_25 = arith.constant 0 : i32
    %dma_start3A_26 = arith.constant 0 : i32
    %dma_start3A_27 = tpu.memref_slice %arg3[%dma_start3A_25, %dma_start3A_26] : memref<100000x128xf32, #tpu.memory_space<hbm>> -> memref<100000x128xf32, #tpu.memory_space<hbm>>
    tpu.enqueue_indirect_dma source(%dma_start3A_27 : memref<100000x128xf32, #tpu.memory_space<hbm>>) target(%dma_start3A_22 : memref<72x128xf32, #tpu.memory_space<vmem>>) offsets(%dma_start3A_24 : memref<72xi32, #tpu.memory_space<vmem>>) semaphore(%arg8 : memref<!tpu.dma_semaphore, #tpu.memory_space<semaphore_mem>>)
    %dma_start3A_28 = arith.constant 1 : i32
    %dma_start3A_29 = arith.constant 0 : i32
    %dma_start3A_30 = arith.constant 0 : i32
    %dma_start3A_31 = tpu.memref_slice %arg6[%dma_start3A_28, %dma_start3A_29, %dma_start3A_30] : memref<2x200x128xf32, #tpu.memory_space<vmem>> -> memref<1x200x128xf32, #tpu.memory_space<vmem>>
    %dma_start3A_32 = tpu.memref_squeeze %dma_start3A_31 : memref<1x200x128xf32, #tpu.memory_space<vmem>> -> memref<200x128xf32, #tpu.memory_space<vmem>>
    %dma_start3A_33 = arith.constant 0 : i32
    %dma_start3A_34 = arith.constant 0 : i32
    %dma_start3A_35 = tpu.memref_slice %dma_start3A_32[%dma_start3A_33, %dma_start3A_34] : memref<200x128xf32, #tpu.memory_space<vmem>> -> memref<128x128xf32, #tpu.memory_space<vmem>>
    %dma_start3A_36 = arith.constant 200 : i32
    %dma_start3A_37 = tpu.memref_slice %arg5[%dma_start3A_36] : memref<25600xi32, #tpu.memory_space<vmem>> -> memref<128xi32, #tpu.memory_space<vmem>>
    %dma_start3A_38 = arith.constant 0 : i32
    %dma_start3A_39 = arith.constant 0 : i32
    %dma_start3A_40 = tpu.memref_slice %arg3[%dma_start3A_38, %dma_start3A_39] : memref<100000x128xf32, #tpu.memory_space<hbm>> -> memref<100000x128xf32, #tpu.memory_space<hbm>>
    tpu.enqueue_indirect_dma source(%dma_start3A_40 : memref<100000x128xf32, #tpu.memory_space<hbm>>) target(%dma_start3A_35 : memref<128x128xf32, #tpu.memory_space<vmem>>) offsets(%dma_start3A_37 : memref<128xi32, #tpu.memory_space<vmem>>) semaphore(%arg9 : memref<!tpu.dma_semaphore, #tpu.memory_space<semaphore_mem>>)
    %dma_start3A_41 = arith.constant 1 : i32
    %dma_start3A_42 = arith.constant 0 : i32
    %dma_start3A_43 = arith.constant 0 : i32
    %dma_start3A_44 = tpu.memref_slice %arg6[%dma_start3A_41, %dma_start3A_42, %dma_start3A_43] : memref<2x200x128xf32, #tpu.memory_space<vmem>> -> memref<1x200x128xf32, #tpu.memory_space<vmem>>
    %dma_start3A_45 = tpu.memref_squeeze %dma_start3A_44 : memref<1x200x128xf32, #tpu.memory_space<vmem>> -> memref<200x128xf32, #tpu.memory_space<vmem>>
    %dma_start3A_46 = arith.constant 128 : i32
    %dma_start3A_47 = arith.constant 0 : i32
    %dma_start3A_48 = tpu.memref_slice %dma_start3A_45[%dma_start3A_46, %dma_start3A_47] : memref<200x128xf32, #tpu.memory_space<vmem>> -> memref<72x128xf32, #tpu.memory_space<vmem>>
    %dma_start3A_49 = arith.constant 328 : i32
    %dma_start3A_50 = tpu.memref_slice %arg5[%dma_start3A_49] : memref<25600xi32, #tpu.memory_space<vmem>> -> memref<72xi32, #tpu.memory_space<vmem>>
    %dma_start3A_51 = arith.constant 0 : i32
    %dma_start3A_52 = arith.constant 0 : i32
    %dma_start3A_53 = tpu.memref_slice %arg3[%dma_start3A_51, %dma_start3A_52] : memref<100000x128xf32, #tpu.memory_space<hbm>> -> memref<100000x128xf32, #tpu.memory_space<hbm>>
    tpu.enqueue_indirect_dma source(%dma_start3A_53 : memref<100000x128xf32, #tpu.memory_space<hbm>>) target(%dma_start3A_48 : memref<72x128xf32, #tpu.memory_space<vmem>>) offsets(%dma_start3A_50 : memref<72xi32, #tpu.memory_space<vmem>>) semaphore(%arg9 : memref<!tpu.dma_semaphore, #tpu.memory_space<semaphore_mem>>)
    %scan3A = arith.constant 0 : i32
    %scan3A_54 = arith.constant 0 : i32
    %scan3A_55 = arith.constant 63 : i32
    %scan3A_56 = arith.addi %scan3A_54, %scan3A_55 : i32
    %scan3A_57 = arith.constant 1 : i32
    scf.for %scan3A_250 = %scan3A_54 to %scan3A_56 step %scan3A_57  : i32 {
      %mul3A_251 = arith.constant 2 : i32
      %mul3A_252 = arith.muli %mul3A_251, %scan3A_250 : i32
      %dma_wait3A_253 = arith.constant 0 : i32
      %dma_wait3A_254 = arith.constant 0 : i32
      %dma_wait3A_255 = arith.constant 0 : i32
      %dma_wait3A_256 = tpu.memref_slice %arg6[%dma_wait3A_253, %dma_wait3A_254, %dma_wait3A_255] : memref<2x200x128xf32, #tpu.memory_space<vmem>> -> memref<1x200x128xf32, #tpu.memory_space<vmem>>
      %dma_wait3A_257 = tpu.memref_squeeze %dma_wait3A_256 : memref<1x200x128xf32, #tpu.memory_space<vmem>> -> memref<200x128xf32, #tpu.memory_space<vmem>>
      %dma_wait3A_258 = arith.constant 0 : i32
      %dma_wait3A_259 = arith.constant 0 : i32
      %dma_wait3A_260 = tpu.memref_slice %dma_wait3A_257[%dma_wait3A_258, %dma_wait3A_259] : memref<200x128xf32, #tpu.memory_space<vmem>> -> memref<128x128xf32, #tpu.memory_space<vmem>>
      %dma_wait3A_261 = arith.constant 0 : i32
      %dma_wait3A_262 = tpu.memref_slice %arg5[%dma_wait3A_261] : memref<25600xi32, #tpu.memory_space<vmem>> -> memref<128xi32, #tpu.memory_space<vmem>>
      %dma_wait3A_263 = arith.constant 0 : i32
      %dma_wait3A_264 = arith.constant 0 : i32
      %dma_wait3A_265 = tpu.memref_slice %arg3[%dma_wait3A_263, %dma_wait3A_264] : memref<100000x128xf32, #tpu.memory_space<hbm>> -> memref<100000x128xf32, #tpu.memory_space<hbm>>
      tpu.wait_indirect_dma semaphore(%arg8 : memref<!tpu.dma_semaphore, #tpu.memory_space<semaphore_mem>>) src(%dma_wait3A_265 : memref<100000x128xf32, #tpu.memory_space<hbm>>) dst(%dma_wait3A_260 : memref<128x128xf32, #tpu.memory_space<vmem>>)
      %dma_wait3A_266 = arith.constant 0 : i32
      %dma_wait3A_267 = arith.constant 0 : i32
      %dma_wait3A_268 = arith.constant 0 : i32
      %dma_wait3A_269 = tpu.memref_slice %arg6[%dma_wait3A_266, %dma_wait3A_267, %dma_wait3A_268] : memref<2x200x128xf32, #tpu.memory_space<vmem>> -> memref<1x200x128xf32, #tpu.memory_space<vmem>>
      %dma_wait3A_270 = tpu.memref_squeeze %dma_wait3A_269 : memref<1x200x128xf32, #tpu.memory_space<vmem>> -> memref<200x128xf32, #tpu.memory_space<vmem>>
      %dma_wait3A_271 = arith.constant 128 : i32
      %dma_wait3A_272 = arith.constant 0 : i32
      %dma_wait3A_273 = tpu.memref_slice %dma_wait3A_270[%dma_wait3A_271, %dma_wait3A_272] : memref<200x128xf32, #tpu.memory_space<vmem>> -> memref<72x128xf32, #tpu.memory_space<vmem>>
      %dma_wait3A_274 = arith.constant 0 : i32
      %dma_wait3A_275 = tpu.memref_slice %arg5[%dma_wait3A_274] : memref<25600xi32, #tpu.memory_space<vmem>> -> memref<72xi32, #tpu.memory_space<vmem>>
      %dma_wait3A_276 = arith.constant 0 : i32
      %dma_wait3A_277 = arith.constant 0 : i32
      %dma_wait3A_278 = tpu.memref_slice %arg3[%dma_wait3A_276, %dma_wait3A_277] : memref<100000x128xf32, #tpu.memory_space<hbm>> -> memref<100000x128xf32, #tpu.memory_space<hbm>>
      tpu.wait_indirect_dma semaphore(%arg8 : memref<!tpu.dma_semaphore, #tpu.memory_space<semaphore_mem>>) src(%dma_wait3A_278 : memref<100000x128xf32, #tpu.memory_space<hbm>>) dst(%dma_wait3A_273 : memref<72x128xf32, #tpu.memory_space<vmem>>)
      %broadcast_in_dim3A_279 = arith.constant 0.000000e+00 : f32
      %broadcast_in_dim3A_280 = vector.broadcast %broadcast_in_dim3A_279 : f32 to vector<16xf32>
      %broadcast_in_dim3A_281 = arith.constant 0.000000e+00 : f32
      %broadcast_in_dim3A_282 = vector.broadcast %broadcast_in_dim3A_281 : f32 to vector<16xf32>
      %broadcast_in_dim3A_283 = arith.constant 0.000000e+00 : f32
      %broadcast_in_dim3A_284 = vector.broadcast %broadcast_in_dim3A_283 : f32 to vector<16xf32>
      %broadcast_in_dim3A_285 = arith.constant 0.000000e+00 : f32
      %broadcast_in_dim3A_286 = vector.broadcast %broadcast_in_dim3A_285 : f32 to vector<16xf32>
      %broadcast_in_dim3A_287 = arith.constant 0.000000e+00 : f32
      %broadcast_in_dim3A_288 = vector.broadcast %broadcast_in_dim3A_287 : f32 to vector<16xf32>
      %broadcast_in_dim3A_289 = arith.constant 0.000000e+00 : f32
      %broadcast_in_dim3A_290 = vector.broadcast %broadcast_in_dim3A_289 : f32 to vector<16xf32>
      %broadcast_in_dim3A_291 = arith.constant 0.000000e+00 : f32
      %broadcast_in_dim3A_292 = vector.broadcast %broadcast_in_dim3A_291 : f32 to vector<16xf32>
      %broadcast_in_dim3A_293 = arith.constant 0.000000e+00 : f32
      %broadcast_in_dim3A_294 = vector.broadcast %broadcast_in_dim3A_293 : f32 to vector<16xf32>
      %scan3A_295 = arith.constant 0 : i32
      %scan3A_296 = arith.constant 50 : i32
      %scan3A_297 = arith.addi %scan3A_295, %scan3A_296 : i32
      %scan3A_298 = arith.constant 1 : i32
      %scan3A_299:8 = scf.for %scan3A_491 = %scan3A_295 to %scan3A_297 step %scan3A_298 iter_args(%scan3A_492 = %broadcast_in_dim3A_280, %scan3A_493 = %broadcast_in_dim3A_282, %scan3A_494 = %broadcast_in_dim3A_284, %scan3A_495 = %broadcast_in_dim3A_286, %scan3A_496 = %broadcast_in_dim3A_288, %scan3A_497 = %broadcast_in_dim3A_290, %scan3A_498 = %broadcast_in_dim3A_292, %scan3A_499 = %broadcast_in_dim3A_294) -> (vector<16xf32>, vector<16xf32>, vector<16xf32>, vector<16xf32>, vector<16xf32>, vector<16xf32>, vector<16xf32>, vector<16xf32>)  : i32 {
        %mul3A_500 = arith.constant 4 : i32
        %mul3A_501 = arith.muli %scan3A_491, %mul3A_500 : i32
        %add3A_502 = arith.constant 0 : i32
        %add3A_503 = arith.addi %mul3A_501, %add3A_502 : i32
        %get3A = arith.constant 0 : i32
        %get3A_504 = arith.index_cast %get3A : i32 to index
        %get3A_505 = arith.index_cast %add3A_503 : i32 to index
        %get3A_506 = arith.constant 0 : index
        %get3A_507 = tpu.vector_load %arg6[%get3A_504, %get3A_505, %get3A_506] {strides = array<i32>} : memref<2x200x128xf32, #tpu.memory_space<vmem>>, vector<1x1x16xf32>,
        %get3A_508 = vector.shape_cast %get3A_507 : vector<1x1x16xf32> to vector<16xf32>
        %add3A_509 = arith.addf %scan3A_492, %get3A_508 : vector<16xf32>
        %add3A_510 = arith.constant 0 : i32
        %add3A_511 = arith.addi %mul3A_501, %add3A_510 : i32
        %get3A_512 = arith.constant 0 : i32
        %get3A_513 = arith.index_cast %get3A_512 : i32 to index
        %get3A_514 = arith.index_cast %add3A_511 : i32 to index
        %get3A_515 = arith.constant 16 : index
        %get3A_516 = tpu.vector_load %arg6[%get3A_513, %get3A_514, %get3A_515] {strides = array<i32>} : memref<2x200x128xf32, #tpu.memory_space<vmem>>, vector<1x1x16xf32>,
        %get3A_517 = vector.shape_cast %get3A_516 : vector<1x1x16xf32> to vector<16xf32>
        %add3A_518 = arith.addf %scan3A_493, %get3A_517 : vector<16xf32>
        %add3A_519 = arith.constant 0 : i32
        %add3A_520 = arith.addi %mul3A_501, %add3A_519 : i32
        %get3A_521 = arith.constant 0 : i32
        %get3A_522 = arith.index_cast %get3A_521 : i32 to index
        %get3A_523 = arith.index_cast %add3A_520 : i32 to index
        %get3A_524 = arith.constant 32 : index
        %get3A_525 = tpu.vector_load %arg6[%get3A_522, %get3A_523, %get3A_524] {strides = array<i32>} : memref<2x200x128xf32, #tpu.memory_space<vmem>>, vector<1x1x16xf32>,
        %get3A_526 = vector.shape_cast %get3A_525 : vector<1x1x16xf32> to vector<16xf32>
        %add3A_527 = arith.addf %scan3A_494, %get3A_526 : vector<16xf32>
        %add3A_528 = arith.constant 0 : i32
        %add3A_529 = arith.addi %mul3A_501, %add3A_528 : i32
        %get3A_530 = arith.constant 0 : i32
        %get3A_531 = arith.index_cast %get3A_530 : i32 to index
        %get3A_532 = arith.index_cast %add3A_529 : i32 to index
        %get3A_533 = arith.constant 48 : index
        %get3A_534 = tpu.vector_load %arg6[%get3A_531, %get3A_532, %get3A_533] {strides = array<i32>} : memref<2x200x128xf32, #tpu.memory_space<vmem>>, vector<1x1x16xf32>,
        %get3A_535 = vector.shape_cast %get3A_534 : vector<1x1x16xf32> to vector<16xf32>
        %add3A_536 = arith.addf %scan3A_495, %get3A_535 : vector<16xf32>
        %add3A_537 = arith.constant 0 : i32
        %add3A_538 = arith.addi %mul3A_501, %add3A_537 : i32
        %get3A_539 = arith.constant 0 : i32
        %get3A_540 = arith.index_cast %get3A_539 : i32 to index
        %get3A_541 = arith.index_cast %add3A_538 : i32 to index
        %get3A_542 = arith.constant 64 : index
        %get3A_543 = tpu.vector_load %arg6[%get3A_540, %get3A_541, %get3A_542] {strides = array<i32>} : memref<2x200x128xf32, #tpu.memory_space<vmem>>, vector<1x1x16xf32>,
        %get3A_544 = vector.shape_cast %get3A_543 : vector<1x1x16xf32> to vector<16xf32>
        %add3A_545 = arith.addf %scan3A_496, %get3A_544 : vector<16xf32>
        %add3A_546 = arith.constant 0 : i32
        %add3A_547 = arith.addi %mul3A_501, %add3A_546 : i32
        %get3A_548 = arith.constant 0 : i32
        %get3A_549 = arith.index_cast %get3A_548 : i32 to index
        %get3A_550 = arith.index_cast %add3A_547 : i32 to index
        %get3A_551 = arith.constant 80 : index
        %get3A_552 = tpu.vector_load %arg6[%get3A_549, %get3A_550, %get3A_551] {strides = array<i32>} : memref<2x200x128xf32, #tpu.memory_space<vmem>>, vector<1x1x16xf32>,
        %get3A_553 = vector.shape_cast %get3A_552 : vector<1x1x16xf32> to vector<16xf32>
        %add3A_554 = arith.addf %scan3A_497, %get3A_553 : vector<16xf32>
        %add3A_555 = arith.constant 0 : i32
        %add3A_556 = arith.addi %mul3A_501, %add3A_555 : i32
        %get3A_557 = arith.constant 0 : i32
        %get3A_558 = arith.index_cast %get3A_557 : i32 to index
        %get3A_559 = arith.index_cast %add3A_556 : i32 to index
        %get3A_560 = arith.constant 96 : index
        %get3A_561 = tpu.vector_load %arg6[%get3A_558, %get3A_559, %get3A_560] {strides = array<i32>} : memref<2x200x128xf32, #tpu.memory_space<vmem>>, vector<1x1x16xf32>,
        %get3A_562 = vector.shape_cast %get3A_561 : vector<1x1x16xf32> to vector<16xf32>
        %add3A_563 = arith.addf %scan3A_498, %get3A_562 : vector<16xf32>
        %add3A_564 = arith.constant 0 : i32
        %add3A_565 = arith.addi %mul3A_501, %add3A_564 : i32
        %get3A_566 = arith.constant 0 : i32
        %get3A_567 = arith.index_cast %get3A_566 : i32 to index
        %get3A_568 = arith.index_cast %add3A_565 : i32 to index
        %get3A_569 = arith.constant 112 : index
        %get3A_570 = tpu.vector_load %arg6[%get3A_567, %get3A_568, %get3A_569] {strides = array<i32>} : memref<2x200x128xf32, #tpu.memory_space<vmem>>, vector<1x1x16xf32>,
        %get3A_571 = vector.shape_cast %get3A_570 : vector<1x1x16xf32> to vector<16xf32>
        %add3A_572 = arith.addf %scan3A_499, %get3A_571 : vector<16xf32>
        %add3A_573 = arith.constant 1 : i32
        %add3A_574 = arith.addi %mul3A_501, %add3A_573 : i32
        %get3A_575 = arith.constant 0 : i32
        %get3A_576 = arith.index_cast %get3A_575 : i32 to index
        %get3A_577 = arith.index_cast %add3A_574 : i32 to index
        %get3A_578 = arith.constant 0 : index
        %get3A_579 = tpu.vector_load %arg6[%get3A_576, %get3A_577, %get3A_578] {strides = array<i32>} : memref<2x200x128xf32, #tpu.memory_space<vmem>>, vector<1x1x16xf32>,
        %get3A_580 = vector.shape_cast %get3A_579 : vector<1x1x16xf32> to vector<16xf32>
        %add3A_581 = arith.addf %add3A_509, %get3A_580 : vector<16xf32>
        %add3A_582 = arith.constant 1 : i32
        %add3A_583 = arith.addi %mul3A_501, %add3A_582 : i32
        %get3A_584 = arith.constant 0 : i32
        %get3A_585 = arith.index_cast %get3A_584 : i32 to index
        %get3A_586 = arith.index_cast %add3A_583 : i32 to index
        %get3A_587 = arith.constant 16 : index
        %get3A_588 = tpu.vector_load %arg6[%get3A_585, %get3A_586, %get3A_587] {strides = array<i32>} : memref<2x200x128xf32, #tpu.memory_space<vmem>>, vector<1x1x16xf32>,
        %get3A_589 = vector.shape_cast %get3A_588 : vector<1x1x16xf32> to vector<16xf32>
        %add3A_590 = arith.addf %add3A_518, %get3A_589 : vector<16xf32>
        %add3A_591 = arith.constant 1 : i32
        %add3A_592 = arith.addi %mul3A_501, %add3A_591 : i32
        %get3A_593 = arith.constant 0 : i32
        %get3A_594 = arith.index_cast %get3A_593 : i32 to index
        %get3A_595 = arith.index_cast %add3A_592 : i32 to index
        %get3A_596 = arith.constant 32 : index
        %get3A_597 = tpu.vector_load %arg6[%get3A_594, %get3A_595, %get3A_596] {strides = array<i32>} : memref<2x200x128xf32, #tpu.memory_space<vmem>>, vector<1x1x16xf32>,
        %get3A_598 = vector.shape_cast %get3A_597 : vector<1x1x16xf32> to vector<16xf32>
        %add3A_599 = arith.addf %add3A_527, %get3A_598 : vector<16xf32>
        %add3A_600 = arith.constant 1 : i32
        %add3A_601 = arith.addi %mul3A_501, %add3A_600 : i32
        %get3A_602 = arith.constant 0 : i32
        %get3A_603 = arith.index_cast %get3A_602 : i32 to index
        %get3A_604 = arith.index_cast %add3A_601 : i32 to index
        %get3A_605 = arith.constant 48 : index
        %get3A_606 = tpu.vector_load %arg6[%get3A_603, %get3A_604, %get3A_605] {strides = array<i32>} : memref<2x200x128xf32, #tpu.memory_space<vmem>>, vector<1x1x16xf32>,
        %get3A_607 = vector.shape_cast %get3A_606 : vector<1x1x16xf32> to vector<16xf32>
        %add3A_608 = arith.addf %add3A_536, %get3A_607 : vector<16xf32>
        %add3A_609 = arith.constant 1 : i32
        %add3A_610 = arith.addi %mul3A_501, %add3A_609 : i32
        %get3A_611 = arith.constant 0 : i32
        %get3A_612 = arith.index_cast %get3A_611 : i32 to index
        %get3A_613 = arith.index_cast %add3A_610 : i32 to index
        %get3A_614 = arith.constant 64 : index
        %get3A_615 = tpu.vector_load %arg6[%get3A_612, %get3A_613, %get3A_614] {strides = array<i32>} : memref<2x200x128xf32, #tpu.memory_space<vmem>>, vector<1x1x16xf32>,
        %get3A_616 = vector.shape_cast %get3A_615 : vector<1x1x16xf32> to vector<16xf32>
        %add3A_617 = arith.addf %add3A_545, %get3A_616 : vector<16xf32>
        %add3A_618 = arith.constant 1 : i32
        %add3A_619 = arith.addi %mul3A_501, %add3A_618 : i32
        %get3A_620 = arith.constant 0 : i32
        %get3A_621 = arith.index_cast %get3A_620 : i32 to index
        %get3A_622 = arith.index_cast %add3A_619 : i32 to index
        %get3A_623 = arith.constant 80 : index
        %get3A_624 = tpu.vector_load %arg6[%get3A_621, %get3A_622, %get3A_623] {strides = array<i32>} : memref<2x200x128xf32, #tpu.memory_space<vmem>>, vector<1x1x16xf32>,
        %get3A_625 = vector.shape_cast %get3A_624 : vector<1x1x16xf32> to vector<16xf32>
        %add3A_626 = arith.addf %add3A_554, %get3A_625 : vector<16xf32>
        %add3A_627 = arith.constant 1 : i32
        %add3A_628 = arith.addi %mul3A_501, %add3A_627 : i32
        %get3A_629 = arith.constant 0 : i32
        %get3A_630 = arith.index_cast %get3A_629 : i32 to index
        %get3A_631 = arith.index_cast %add3A_628 : i32 to index
        %get3A_632 = arith.constant 96 : index
        %get3A_633 = tpu.vector_load %arg6[%get3A_630, %get3A_631, %get3A_632] {strides = array<i32>} : memref<2x200x128xf32, #tpu.memory_space<vmem>>, vector<1x1x16xf32>,
        %get3A_634 = vector.shape_cast %get3A_633 : vector<1x1x16xf32> to vector<16xf32>
        %add3A_635 = arith.addf %add3A_563, %get3A_634 : vector<16xf32>
        %add3A_636 = arith.constant 1 : i32
        %add3A_637 = arith.addi %mul3A_501, %add3A_636 : i32
        %get3A_638 = arith.constant 0 : i32
        %get3A_639 = arith.index_cast %get3A_638 : i32 to index
        %get3A_640 = arith.index_cast %add3A_637 : i32 to index
        %get3A_641 = arith.constant 112 : index
        %get3A_642 = tpu.vector_load %arg6[%get3A_639, %get3A_640, %get3A_641] {strides = array<i32>} : memref<2x200x128xf32, #tpu.memory_space<vmem>>, vector<1x1x16xf32>,
        %get3A_643 = vector.shape_cast %get3A_642 : vector<1x1x16xf32> to vector<16xf32>
        %add3A_644 = arith.addf %add3A_572, %get3A_643 : vector<16xf32>
        %add3A_645 = arith.constant 2 : i32
        %add3A_646 = arith.addi %mul3A_501, %add3A_645 : i32
        %get3A_647 = arith.constant 0 : i32
        %get3A_648 = arith.index_cast %get3A_647 : i32 to index
        %get3A_649 = arith.index_cast %add3A_646 : i32 to index
        %get3A_650 = arith.constant 0 : index
        %get3A_651 = tpu.vector_load %arg6[%get3A_648, %get3A_649, %get3A_650] {strides = array<i32>} : memref<2x200x128xf32, #tpu.memory_space<vmem>>, vector<1x1x16xf32>,
        %get3A_652 = vector.shape_cast %get3A_651 : vector<1x1x16xf32> to vector<16xf32>
        %add3A_653 = arith.addf %add3A_581, %get3A_652 : vector<16xf32>
        %add3A_654 = arith.constant 2 : i32
        %add3A_655 = arith.addi %mul3A_501, %add3A_654 : i32
        %get3A_656 = arith.constant 0 : i32
        %get3A_657 = arith.index_cast %get3A_656 : i32 to index
        %get3A_658 = arith.index_cast %add3A_655 : i32 to index
        %get3A_659 = arith.constant 16 : index
        %get3A_660 = tpu.vector_load %arg6[%get3A_657, %get3A_658, %get3A_659] {strides = array<i32>} : memref<2x200x128xf32, #tpu.memory_space<vmem>>, vector<1x1x16xf32>,
        %get3A_661 = vector.shape_cast %get3A_660 : vector<1x1x16xf32> to vector<16xf32>
        %add3A_662 = arith.addf %add3A_590, %get3A_661 : vector<16xf32>
        %add3A_663 = arith.constant 2 : i32
        %add3A_664 = arith.addi %mul3A_501, %add3A_663 : i32
        %get3A_665 = arith.constant 0 : i32
        %get3A_666 = arith.index_cast %get3A_665 : i32 to index
        %get3A_667 = arith.index_cast %add3A_664 : i32 to index
        %get3A_668 = arith.constant 32 : index
        %get3A_669 = tpu.vector_load %arg6[%get3A_666, %get3A_667, %get3A_668] {strides = array<i32>} : memref<2x200x128xf32, #tpu.memory_space<vmem>>, vector<1x1x16xf32>,
        %get3A_670 = vector.shape_cast %get3A_669 : vector<1x1x16xf32> to vector<16xf32>
        %add3A_671 = arith.addf %add3A_599, %get3A_670 : vector<16xf32>
        %add3A_672 = arith.constant 2 : i32
        %add3A_673 = arith.addi %mul3A_501, %add3A_672 : i32
        %get3A_674 = arith.constant 0 : i32
        %get3A_675 = arith.index_cast %get3A_674 : i32 to index
        %get3A_676 = arith.index_cast %add3A_673 : i32 to index
        %get3A_677 = arith.constant 48 : index
        %get3A_678 = tpu.vector_load %arg6[%get3A_675, %get3A_676, %get3A_677] {strides = array<i32>} : memref<2x200x128xf32, #tpu.memory_space<vmem>>, vector<1x1x16xf32>,
        %get3A_679 = vector.shape_cast %get3A_678 : vector<1x1x16xf32> to vector<16xf32>
        %add3A_680 = arith.addf %add3A_608, %get3A_679 : vector<16xf32>
        %add3A_681 = arith.constant 2 : i32
        %add3A_682 = arith.addi %mul3A_501, %add3A_681 : i32
        %get3A_683 = arith.constant 0 : i32
        %get3A_684 = arith.index_cast %get3A_683 : i32 to index
        %get3A_685 = arith.index_cast %add3A_682 : i32 to index
        %get3A_686 = arith.constant 64 : index
        %get3A_687 = tpu.vector_load %arg6[%get3A_684, %get3A_685, %get3A_686] {strides = array<i32>} : memref<2x200x128xf32, #tpu.memory_space<vmem>>, vector<1x1x16xf32>,
        %get3A_688 = vector.shape_cast %get3A_687 : vector<1x1x16xf32> to vector<16xf32>
        %add3A_689 = arith.addf %add3A_617, %get3A_688 : vector<16xf32>
        %add3A_690 = arith.constant 2 : i32
        %add3A_691 = arith.addi %mul3A_501, %add3A_690 : i32
        %get3A_692 = arith.constant 0 : i32
        %get3A_693 = arith.index_cast %get3A_692 : i32 to index
        %get3A_694 = arith.index_cast %add3A_691 : i32 to index
        %get3A_695 = arith.constant 80 : index
        %get3A_696 = tpu.vector_load %arg6[%get3A_693, %get3A_694, %get3A_695] {strides = array<i32>} : memref<2x200x128xf32, #tpu.memory_space<vmem>>, vector<1x1x16xf32>,
        %get3A_697 = vector.shape_cast %get3A_696 : vector<1x1x16xf32> to vector<16xf32>
        %add3A_698 = arith.addf %add3A_626, %get3A_697 : vector<16xf32>
        %add3A_699 = arith.constant 2 : i32
        %add3A_700 = arith.addi %mul3A_501, %add3A_699 : i32
        %get3A_701 = arith.constant 0 : i32
        %get3A_702 = arith.index_cast %get3A_701 : i32 to index
        %get3A_703 = arith.index_cast %add3A_700 : i32 to index
        %get3A_704 = arith.constant 96 : index
        %get3A_705 = tpu.vector_load %arg6[%get3A_702, %get3A_703, %get3A_704] {strides = array<i32>} : memref<2x200x128xf32, #tpu.memory_space<vmem>>, vector<1x1x16xf32>,
        %get3A_706 = vector.shape_cast %get3A_705 : vector<1x1x16xf32> to vector<16xf32>
        %add3A_707 = arith.addf %add3A_635, %get3A_706 : vector<16xf32>
        %add3A_708 = arith.constant 2 : i32
        %add3A_709 = arith.addi %mul3A_501, %add3A_708 : i32
        %get3A_710 = arith.constant 0 : i32
        %get3A_711 = arith.index_cast %get3A_710 : i32 to index
        %get3A_712 = arith.index_cast %add3A_709 : i32 to index
        %get3A_713 = arith.constant 112 : index
        %get3A_714 = tpu.vector_load %arg6[%get3A_711, %get3A_712, %get3A_713] {strides = array<i32>} : memref<2x200x128xf32, #tpu.memory_space<vmem>>, vector<1x1x16xf32>,
        %get3A_715 = vector.shape_cast %get3A_714 : vector<1x1x16xf32> to vector<16xf32>
        %add3A_716 = arith.addf %add3A_644, %get3A_715 : vector<16xf32>
        %add3A_717 = arith.constant 3 : i32
        %add3A_718 = arith.addi %mul3A_501, %add3A_717 : i32
        %get3A_719 = arith.constant 0 : i32
        %get3A_720 = arith.index_cast %get3A_719 : i32 to index
        %get3A_721 = arith.index_cast %add3A_718 : i32 to index
        %get3A_722 = arith.constant 0 : index
        %get3A_723 = tpu.vector_load %arg6[%get3A_720, %get3A_721, %get3A_722] {strides = array<i32>} : memref<2x200x128xf32, #tpu.memory_space<vmem>>, vector<1x1x16xf32>,
        %get3A_724 = vector.shape_cast %get3A_723 : vector<1x1x16xf32> to vector<16xf32>
        %add3A_725 = arith.addf %add3A_653, %get3A_724 : vector<16xf32>
        %add3A_726 = arith.constant 3 : i32
        %add3A_727 = arith.addi %mul3A_501, %add3A_726 : i32
        %get3A_728 = arith.constant 0 : i32
        %get3A_729 = arith.index_cast %get3A_728 : i32 to index
        %get3A_730 = arith.index_cast %add3A_727 : i32 to index
        %get3A_731 = arith.constant 16 : index
        %get3A_732 = tpu.vector_load %arg6[%get3A_729, %get3A_730, %get3A_731] {strides = array<i32>} : memref<2x200x128xf32, #tpu.memory_space<vmem>>, vector<1x1x16xf32>,
        %get3A_733 = vector.shape_cast %get3A_732 : vector<1x1x16xf32> to vector<16xf32>
        %add3A_734 = arith.addf %add3A_662, %get3A_733 : vector<16xf32>
        %add3A_735 = arith.constant 3 : i32
        %add3A_736 = arith.addi %mul3A_501, %add3A_735 : i32
        %get3A_737 = arith.constant 0 : i32
        %get3A_738 = arith.index_cast %get3A_737 : i32 to index
        %get3A_739 = arith.index_cast %add3A_736 : i32 to index
        %get3A_740 = arith.constant 32 : index
        %get3A_741 = tpu.vector_load %arg6[%get3A_738, %get3A_739, %get3A_740] {strides = array<i32>} : memref<2x200x128xf32, #tpu.memory_space<vmem>>, vector<1x1x16xf32>,
        %get3A_742 = vector.shape_cast %get3A_741 : vector<1x1x16xf32> to vector<16xf32>
        %add3A_743 = arith.addf %add3A_671, %get3A_742 : vector<16xf32>
        %add3A_744 = arith.constant 3 : i32
        %add3A_745 = arith.addi %mul3A_501, %add3A_744 : i32
        %get3A_746 = arith.constant 0 : i32
        %get3A_747 = arith.index_cast %get3A_746 : i32 to index
        %get3A_748 = arith.index_cast %add3A_745 : i32 to index
        %get3A_749 = arith.constant 48 : index
        %get3A_750 = tpu.vector_load %arg6[%get3A_747, %get3A_748, %get3A_749] {strides = array<i32>} : memref<2x200x128xf32, #tpu.memory_space<vmem>>, vector<1x1x16xf32>,
        %get3A_751 = vector.shape_cast %get3A_750 : vector<1x1x16xf32> to vector<16xf32>
        %add3A_752 = arith.addf %add3A_680, %get3A_751 : vector<16xf32>
        %add3A_753 = arith.constant 3 : i32
        %add3A_754 = arith.addi %mul3A_501, %add3A_753 : i32
        %get3A_755 = arith.constant 0 : i32
        %get3A_756 = arith.index_cast %get3A_755 : i32 to index
        %get3A_757 = arith.index_cast %add3A_754 : i32 to index
        %get3A_758 = arith.constant 64 : index
        %get3A_759 = tpu.vector_load %arg6[%get3A_756, %get3A_757, %get3A_758] {strides = array<i32>} : memref<2x200x128xf32, #tpu.memory_space<vmem>>, vector<1x1x16xf32>,
        %get3A_760 = vector.shape_cast %get3A_759 : vector<1x1x16xf32> to vector<16xf32>
        %add3A_761 = arith.addf %add3A_689, %get3A_760 : vector<16xf32>
        %add3A_762 = arith.constant 3 : i32
        %add3A_763 = arith.addi %mul3A_501, %add3A_762 : i32
        %get3A_764 = arith.constant 0 : i32
        %get3A_765 = arith.index_cast %get3A_764 : i32 to index
        %get3A_766 = arith.index_cast %add3A_763 : i32 to index
        %get3A_767 = arith.constant 80 : index
        %get3A_768 = tpu.vector_load %arg6[%get3A_765, %get3A_766, %get3A_767] {strides = array<i32>} : memref<2x200x128xf32, #tpu.memory_space<vmem>>, vector<1x1x16xf32>,
        %get3A_769 = vector.shape_cast %get3A_768 : vector<1x1x16xf32> to vector<16xf32>
        %add3A_770 = arith.addf %add3A_698, %get3A_769 : vector<16xf32>
        %add3A_771 = arith.constant 3 : i32
        %add3A_772 = arith.addi %mul3A_501, %add3A_771 : i32
        %get3A_773 = arith.constant 0 : i32
        %get3A_774 = arith.index_cast %get3A_773 : i32 to index
        %get3A_775 = arith.index_cast %add3A_772 : i32 to index
        %get3A_776 = arith.constant 96 : index
        %get3A_777 = tpu.vector_load %arg6[%get3A_774, %get3A_775, %get3A_776] {strides = array<i32>} : memref<2x200x128xf32, #tpu.memory_space<vmem>>, vector<1x1x16xf32>,
        %get3A_778 = vector.shape_cast %get3A_777 : vector<1x1x16xf32> to vector<16xf32>
        %add3A_779 = arith.addf %add3A_707, %get3A_778 : vector<16xf32>
        %add3A_780 = arith.constant 3 : i32
        %add3A_781 = arith.addi %mul3A_501, %add3A_780 : i32
        %get3A_782 = arith.constant 0 : i32
        %get3A_783 = arith.index_cast %get3A_782 : i32 to index
        %get3A_784 = arith.index_cast %add3A_781 : i32 to index
        %get3A_785 = arith.constant 112 : index
        %get3A_786 = tpu.vector_load %arg6[%get3A_783, %get3A_784, %get3A_785] {strides = array<i32>} : memref<2x200x128xf32, #tpu.memory_space<vmem>>, vector<1x1x16xf32>,
        %get3A_787 = vector.shape_cast %get3A_786 : vector<1x1x16xf32> to vector<16xf32>
        %add3A_788 = arith.addf %add3A_716, %get3A_787 : vector<16xf32>
        scf.yield %add3A_725, %add3A_734, %add3A_743, %add3A_752, %add3A_761, %add3A_770, %add3A_779, %add3A_788 : vector<16xf32>, vector<16xf32>, vector<16xf32>, vector<16xf32>, vector<16xf32>, vector<16xf32>, vector<16xf32>, vector<16xf32>
      }
      %scan3A_300 = arith.constant 50 : i32
      %swap3A_301 = arith.index_cast %mul3A_252 : i32 to index
      %swap3A_302 = arith.constant 0 : index
      %swap3A_303 = tpu.vector_load %arg7[%swap3A_301, %swap3A_302] {strides = array<i32>} : memref<128x128xf32, #tpu.memory_space<vmem>>, vector<1x16xf32>,
      %swap3A_304 = vector.shape_cast %swap3A_303 : vector<1x16xf32> to vector<16xf32>
      %swap3A_305 = vector.shape_cast %scan3A_299#0 : vector<16xf32> to vector<1x16xf32>
      tpu.vector_store %arg7[%swap3A_301, %swap3A_302], %swap3A_305 {strides = array<i32>} : memref<128x128xf32, #tpu.memory_space<vmem>>, vector<1x16xf32>,
      %swap3A_306 = arith.index_cast %mul3A_252 : i32 to index
      %swap3A_307 = arith.constant 16 : index
      %swap3A_308 = tpu.vector_load %arg7[%swap3A_306, %swap3A_307] {strides = array<i32>} : memref<128x128xf32, #tpu.memory_space<vmem>>, vector<1x16xf32>,
      %swap3A_309 = vector.shape_cast %swap3A_308 : vector<1x16xf32> to vector<16xf32>
      %swap3A_310 = vector.shape_cast %scan3A_299#1 : vector<16xf32> to vector<1x16xf32>
      tpu.vector_store %arg7[%swap3A_306, %swap3A_307], %swap3A_310 {strides = array<i32>} : memref<128x128xf32, #tpu.memory_space<vmem>>, vector<1x16xf32>,
      %swap3A_311 = arith.index_cast %mul3A_252 : i32 to index
      %swap3A_312 = arith.constant 32 : index
      %swap3A_313 = tpu.vector_load %arg7[%swap3A_311, %swap3A_312] {strides = array<i32>} : memref<128x128xf32, #tpu.memory_space<vmem>>, vector<1x16xf32>,
      %swap3A_314 = vector.shape_cast %swap3A_313 : vector<1x16xf32> to vector<16xf32>
      %swap3A_315 = vector.shape_cast %scan3A_299#2 : vector<16xf32> to vector<1x16xf32>
      tpu.vector_store %arg7[%swap3A_311, %swap3A_312], %swap3A_315 {strides = array<i32>} : memref<128x128xf32, #tpu.memory_space<vmem>>, vector<1x16xf32>,
      %swap3A_316 = arith.index_cast %mul3A_252 : i32 to index
      %swap3A_317 = arith.constant 48 : index
      %swap3A_318 = tpu.vector_load %arg7[%swap3A_316, %swap3A_317] {strides = array<i32>} : memref<128x128xf32, #tpu.memory_space<vmem>>, vector<1x16xf32>,
      %swap3A_319 = vector.shape_cast %swap3A_318 : vector<1x16xf32> to vector<16xf32>
      %swap3A_320 = vector.shape_cast %scan3A_299#3 : vector<16xf32> to vector<1x16xf32>
      tpu.vector_store %arg7[%swap3A_316, %swap3A_317], %swap3A_320 {strides = array<i32>} : memref<128x128xf32, #tpu.memory_space<vmem>>, vector<1x16xf32>,
      %swap3A_321 = arith.index_cast %mul3A_252 : i32 to index
      %swap3A_322 = arith.constant 64 : index
      %swap3A_323 = tpu.vector_load %arg7[%swap3A_321, %swap3A_322] {strides = array<i32>} : memref<128x128xf32, #tpu.memory_space<vmem>>, vector<1x16xf32>,
      %swap3A_324 = vector.shape_cast %swap3A_323 : vector<1x16xf32> to vector<16xf32>
      %swap3A_325 = vector.shape_cast %scan3A_299#4 : vector<16xf32> to vector<1x16xf32>
      tpu.vector_store %arg7[%swap3A_321, %swap3A_322], %swap3A_325 {strides = array<i32>} : memref<128x128xf32, #tpu.memory_space<vmem>>, vector<1x16xf32>,
      %swap3A_326 = arith.index_cast %mul3A_252 : i32 to index
      %swap3A_327 = arith.constant 80 : index
      %swap3A_328 = tpu.vector_load %arg7[%swap3A_326, %swap3A_327] {strides = array<i32>} : memref<128x128xf32, #tpu.memory_space<vmem>>, vector<1x16xf32>,
      %swap3A_329 = vector.shape_cast %swap3A_328 : vector<1x16xf32> to vector<16xf32>
      %swap3A_330 = vector.shape_cast %scan3A_299#5 : vector<16xf32> to vector<1x16xf32>
      tpu.vector_store %arg7[%swap3A_326, %swap3A_327], %swap3A_330 {strides = array<i32>} : memref<128x128xf32, #tpu.memory_space<vmem>>, vector<1x16xf32>,
      %swap3A_331 = arith.index_cast %mul3A_252 : i32 to index
      %swap3A_332 = arith.constant 96 : index
      %swap3A_333 = tpu.vector_load %arg7[%swap3A_331, %swap3A_332] {strides = array<i32>} : memref<128x128xf32, #tpu.memory_space<vmem>>, vector<1x16xf32>,
      %swap3A_334 = vector.shape_cast %swap3A_333 : vector<1x16xf32> to vector<16xf32>
      %swap3A_335 = vector.shape_cast %scan3A_299#6 : vector<16xf32> to vector<1x16xf32>
      tpu.vector_store %arg7[%swap3A_331, %swap3A_332], %swap3A_335 {strides = array<i32>} : memref<128x128xf32, #tpu.memory_space<vmem>>, vector<1x16xf32>,
      %swap3A_336 = arith.index_cast %mul3A_252 : i32 to index
      %swap3A_337 = arith.constant 112 : index
      %swap3A_338 = tpu.vector_load %arg7[%swap3A_336, %swap3A_337] {strides = array<i32>} : memref<128x128xf32, #tpu.memory_space<vmem>>, vector<1x16xf32>,
      %swap3A_339 = vector.shape_cast %swap3A_338 : vector<1x16xf32> to vector<16xf32>
      %swap3A_340 = vector.shape_cast %scan3A_299#7 : vector<16xf32> to vector<1x16xf32>
      tpu.vector_store %arg7[%swap3A_336, %swap3A_337], %swap3A_340 {strides = array<i32>} : memref<128x128xf32, #tpu.memory_space<vmem>>, vector<1x16xf32>,
      %add3A_341 = arith.constant 2 : i32
      %add3A_342 = arith.addi %mul3A_252, %add3A_341 : i32
      %mul3A_343 = arith.constant 200 : i32
      %mul3A_344 = arith.muli %add3A_342, %mul3A_343 : i32
      %dma_start3A_345 = arith.constant 0 : i32
      %dma_start3A_346 = arith.constant 0 : i32
      %dma_start3A_347 = arith.constant 0 : i32
      %dma_start3A_348 = tpu.memref_slice %arg6[%dma_start3A_345, %dma_start3A_346, %dma_start3A_347] : memref<2x200x128xf32, #tpu.memory_space<vmem>> -> memref<1x200x128xf32, #tpu.memory_space<vmem>>
      %dma_start3A_349 = tpu.memref_squeeze %dma_start3A_348 : memref<1x200x128xf32, #tpu.memory_space<vmem>> -> memref<200x128xf32, #tpu.memory_space<vmem>>
      %dma_start3A_350 = arith.constant 0 : i32
      %dma_start3A_351 = arith.constant 0 : i32
      %dma_start3A_352 = tpu.memref_slice %dma_start3A_349[%dma_start3A_350, %dma_start3A_351] : memref<200x128xf32, #tpu.memory_space<vmem>> -> memref<128x128xf32, #tpu.memory_space<vmem>>
      %dma_start3A_353 = tpu.memref_slice %arg5[%mul3A_344] : memref<25600xi32, #tpu.memory_space<vmem>> -> memref<128xi32, #tpu.memory_space<vmem>>
      %dma_start3A_354 = arith.constant 0 : i32
      %dma_start3A_355 = arith.constant 0 : i32
      %dma_start3A_356 = tpu.memref_slice %arg3[%dma_start3A_354, %dma_start3A_355] : memref<100000x128xf32, #tpu.memory_space<hbm>> -> memref<100000x128xf32, #tpu.memory_space<hbm>>
      tpu.enqueue_indirect_dma source(%dma_start3A_356 : memref<100000x128xf32, #tpu.memory_space<hbm>>) target(%dma_start3A_352 : memref<128x128xf32, #tpu.memory_space<vmem>>) offsets(%dma_start3A_353 : memref<128xi32, #tpu.memory_space<vmem>>) semaphore(%arg8 : memref<!tpu.dma_semaphore, #tpu.memory_space<semaphore_mem>>)
      %add3A_357 = arith.constant 128 : i32
      %add3A_358 = arith.addi %mul3A_344, %add3A_357 : i32
      %dma_start3A_359 = arith.constant 0 : i32
      %dma_start3A_360 = arith.constant 0 : i32
      %dma_start3A_361 = arith.constant 0 : i32
      %dma_start3A_362 = tpu.memref_slice %arg6[%dma_start3A_359, %dma_start3A_360, %dma_start3A_361] : memref<2x200x128xf32, #tpu.memory_space<vmem>> -> memref<1x200x128xf32, #tpu.memory_space<vmem>>
      %dma_start3A_363 = tpu.memref_squeeze %dma_start3A_362 : memref<1x200x128xf32, #tpu.memory_space<vmem>> -> memref<200x128xf32, #tpu.memory_space<vmem>>
      %dma_start3A_364 = arith.constant 128 : i32
      %dma_start3A_365 = arith.constant 0 : i32
      %dma_start3A_366 = tpu.memref_slice %dma_start3A_363[%dma_start3A_364, %dma_start3A_365] : memref<200x128xf32, #tpu.memory_space<vmem>> -> memref<72x128xf32, #tpu.memory_space<vmem>>
      %dma_start3A_367 = tpu.memref_slice %arg5[%add3A_358] : memref<25600xi32, #tpu.memory_space<vmem>> -> memref<72xi32, #tpu.memory_space<vmem>>
      %dma_start3A_368 = arith.constant 0 : i32
      %dma_start3A_369 = arith.constant 0 : i32
      %dma_start3A_370 = tpu.memref_slice %arg3[%dma_start3A_368, %dma_start3A_369] : memref<100000x128xf32, #tpu.memory_space<hbm>> -> memref<100000x128xf32, #tpu.memory_space<hbm>>
      tpu.enqueue_indirect_dma source(%dma_start3A_370 : memref<100000x128xf32, #tpu.memory_space<hbm>>) target(%dma_start3A_366 : memref<72x128xf32, #tpu.memory_space<vmem>>) offsets(%dma_start3A_367 : memref<72xi32, #tpu.memory_space<vmem>>) semaphore(%arg8 : memref<!tpu.dma_semaphore, #tpu.memory_space<semaphore_mem>>)
      %dma_wait3A_371 = arith.constant 1 : i32
      %dma_wait3A_372 = arith.constant 0 : i32
      %dma_wait3A_373 = arith.constant 0 : i32
      %dma_wait3A_374 = tpu.memref_slice %arg6[%dma_wait3A_371, %dma_wait3A_372, %dma_wait3A_373] : memref<2x200x128xf32, #tpu.memory_space<vmem>> -> memref<1x200x128xf32, #tpu.memory_space<vmem>>
      %dma_wait3A_375 = tpu.memref_squeeze %dma_wait3A_374 : memref<1x200x128xf32, #tpu.memory_space<vmem>> -> memref<200x128xf32, #tpu.memory_space<vmem>>
      %dma_wait3A_376 = arith.constant 0 : i32
      %dma_wait3A_377 = arith.constant 0 : i32
      %dma_wait3A_378 = tpu.memref_slice %dma_wait3A_375[%dma_wait3A_376, %dma_wait3A_377] : memref<200x128xf32, #tpu.memory_space<vmem>> -> memref<128x128xf32, #tpu.memory_space<vmem>>
      %dma_wait3A_379 = arith.constant 0 : i32
      %dma_wait3A_380 = tpu.memref_slice %arg5[%dma_wait3A_379] : memref<25600xi32, #tpu.memory_space<vmem>> -> memref<128xi32, #tpu.memory_space<vmem>>
      %dma_wait3A_381 = arith.constant 0 : i32
      %dma_wait3A_382 = arith.constant 0 : i32
      %dma_wait3A_383 = tpu.memref_slice %arg3[%dma_wait3A_381, %dma_wait3A_382] : memref<100000x128xf32, #tpu.memory_space<hbm>> -> memref<100000x128xf32, #tpu.memory_space<hbm>>
      tpu.wait_indirect_dma semaphore(%arg9 : memref<!tpu.dma_semaphore, #tpu.memory_space<semaphore_mem>>) src(%dma_wait3A_383 : memref<100000x128xf32, #tpu.memory_space<hbm>>) dst(%dma_wait3A_378 : memref<128x128xf32, #tpu.memory_space<vmem>>)
      %dma_wait3A_384 = arith.constant 1 : i32
      %dma_wait3A_385 = arith.constant 0 : i32
      %dma_wait3A_386 = arith.constant 0 : i32
      %dma_wait3A_387 = tpu.memref_slice %arg6[%dma_wait3A_384, %dma_wait3A_385, %dma_wait3A_386] : memref<2x200x128xf32, #tpu.memory_space<vmem>> -> memref<1x200x128xf32, #tpu.memory_space<vmem>>
      %dma_wait3A_388 = tpu.memref_squeeze %dma_wait3A_387 : memref<1x200x128xf32, #tpu.memory_space<vmem>> -> memref<200x128xf32, #tpu.memory_space<vmem>>
      %dma_wait3A_389 = arith.constant 128 : i32
      %dma_wait3A_390 = arith.constant 0 : i32
      %dma_wait3A_391 = tpu.memref_slice %dma_wait3A_388[%dma_wait3A_389, %dma_wait3A_390] : memref<200x128xf32, #tpu.memory_space<vmem>> -> memref<72x128xf32, #tpu.memory_space<vmem>>
      %dma_wait3A_392 = arith.constant 0 : i32
      %dma_wait3A_393 = tpu.memref_slice %arg5[%dma_wait3A_392] : memref<25600xi32, #tpu.memory_space<vmem>> -> memref<72xi32, #tpu.memory_space<vmem>>
      %dma_wait3A_394 = arith.constant 0 : i32
      %dma_wait3A_395 = arith.constant 0 : i32
      %dma_wait3A_396 = tpu.memref_slice %arg3[%dma_wait3A_394, %dma_wait3A_395] : memref<100000x128xf32, #tpu.memory_space<hbm>> -> memref<100000x128xf32, #tpu.memory_space<hbm>>
      tpu.wait_indirect_dma semaphore(%arg9 : memref<!tpu.dma_semaphore, #tpu.memory_space<semaphore_mem>>) src(%dma_wait3A_396 : memref<100000x128xf32, #tpu.memory_space<hbm>>) dst(%dma_wait3A_391 : memref<72x128xf32, #tpu.memory_space<vmem>>)
      %add3A_397 = arith.constant 1 : i32
      %add3A_398 = arith.addi %mul3A_252, %add3A_397 : i32
      %broadcast_in_dim3A_399 = arith.constant 0.000000e+00 : f32
      %broadcast_in_dim3A_400 = vector.broadcast %broadcast_in_dim3A_399 : f32 to vector<16xf32>
      %broadcast_in_dim3A_401 = arith.constant 0.000000e+00 : f32
      %broadcast_in_dim3A_402 = vector.broadcast %broadcast_in_dim3A_401 : f32 to vector<16xf32>
      %broadcast_in_dim3A_403 = arith.constant 0.000000e+00 : f32
      %broadcast_in_dim3A_404 = vector.broadcast %broadcast_in_dim3A_403 : f32 to vector<16xf32>
      %broadcast_in_dim3A_405 = arith.constant 0.000000e+00 : f32
      %broadcast_in_dim3A_406 = vector.broadcast %broadcast_in_dim3A_405 : f32 to vector<16xf32>
      %broadcast_in_dim3A_407 = arith.constant 0.000000e+00 : f32
      %broadcast_in_dim3A_408 = vector.broadcast %broadcast_in_dim3A_407 : f32 to vector<16xf32>
      %broadcast_in_dim3A_409 = arith.constant 0.000000e+00 : f32
      %broadcast_in_dim3A_410 = vector.broadcast %broadcast_in_dim3A_409 : f32 to vector<16xf32>
      %broadcast_in_dim3A_411 = arith.constant 0.000000e+00 : f32
      %broadcast_in_dim3A_412 = vector.broadcast %broadcast_in_dim3A_411 : f32 to vector<16xf32>
      %broadcast_in_dim3A_413 = arith.constant 0.000000e+00 : f32
      %broadcast_in_dim3A_414 = vector.broadcast %broadcast_in_dim3A_413 : f32 to vector<16xf32>
      %scan3A_415 = arith.constant 0 : i32
      %scan3A_416 = arith.constant 50 : i32
      %scan3A_417 = arith.addi %scan3A_415, %scan3A_416 : i32
      %scan3A_418 = arith.constant 1 : i32
      %scan3A_419:8 = scf.for %scan3A_491 = %scan3A_415 to %scan3A_417 step %scan3A_418 iter_args(%scan3A_492 = %broadcast_in_dim3A_400, %scan3A_493 = %broadcast_in_dim3A_402, %scan3A_494 = %broadcast_in_dim3A_404, %scan3A_495 = %broadcast_in_dim3A_406, %scan3A_496 = %broadcast_in_dim3A_408, %scan3A_497 = %broadcast_in_dim3A_410, %scan3A_498 = %broadcast_in_dim3A_412, %scan3A_499 = %broadcast_in_dim3A_414) -> (vector<16xf32>, vector<16xf32>, vector<16xf32>, vector<16xf32>, vector<16xf32>, vector<16xf32>, vector<16xf32>, vector<16xf32>)  : i32 {
        %mul3A_500 = arith.constant 4 : i32
        %mul3A_501 = arith.muli %scan3A_491, %mul3A_500 : i32
        %add3A_502 = arith.constant 0 : i32
        %add3A_503 = arith.addi %mul3A_501, %add3A_502 : i32
        %get3A = arith.constant 1 : i32
        %get3A_504 = arith.index_cast %get3A : i32 to index
        %get3A_505 = arith.index_cast %add3A_503 : i32 to index
        %get3A_506 = arith.constant 0 : index
        %get3A_507 = tpu.vector_load %arg6[%get3A_504, %get3A_505, %get3A_506] {strides = array<i32>} : memref<2x200x128xf32, #tpu.memory_space<vmem>>, vector<1x1x16xf32>,
        %get3A_508 = vector.shape_cast %get3A_507 : vector<1x1x16xf32> to vector<16xf32>
        %add3A_509 = arith.addf %scan3A_492, %get3A_508 : vector<16xf32>
        %add3A_510 = arith.constant 0 : i32
        %add3A_511 = arith.addi %mul3A_501, %add3A_510 : i32
        %get3A_512 = arith.constant 1 : i32
        %get3A_513 = arith.index_cast %get3A_512 : i32 to index
        %get3A_514 = arith.index_cast %add3A_511 : i32 to index
        %get3A_515 = arith.constant 16 : index
        %get3A_516 = tpu.vector_load %arg6[%get3A_513, %get3A_514, %get3A_515] {strides = array<i32>} : memref<2x200x128xf32, #tpu.memory_space<vmem>>, vector<1x1x16xf32>,
        %get3A_517 = vector.shape_cast %get3A_516 : vector<1x1x16xf32> to vector<16xf32>
        %add3A_518 = arith.addf %scan3A_493, %get3A_517 : vector<16xf32>
        %add3A_519 = arith.constant 0 : i32
        %add3A_520 = arith.addi %mul3A_501, %add3A_519 : i32
        %get3A_521 = arith.constant 1 : i32
        %get3A_522 = arith.index_cast %get3A_521 : i32 to index
        %get3A_523 = arith.index_cast %add3A_520 : i32 to index
        %get3A_524 = arith.constant 32 : index
        %get3A_525 = tpu.vector_load %arg6[%get3A_522, %get3A_523, %get3A_524] {strides = array<i32>} : memref<2x200x128xf32, #tpu.memory_space<vmem>>, vector<1x1x16xf32>,
        %get3A_526 = vector.shape_cast %get3A_525 : vector<1x1x16xf32> to vector<16xf32>
        %add3A_527 = arith.addf %scan3A_494, %get3A_526 : vector<16xf32>
        %add3A_528 = arith.constant 0 : i32
        %add3A_529 = arith.addi %mul3A_501, %add3A_528 : i32
        %get3A_530 = arith.constant 1 : i32
        %get3A_531 = arith.index_cast %get3A_530 : i32 to index
        %get3A_532 = arith.index_cast %add3A_529 : i32 to index
        %get3A_533 = arith.constant 48 : index
        %get3A_534 = tpu.vector_load %arg6[%get3A_531, %get3A_532, %get3A_533] {strides = array<i32>} : memref<2x200x128xf32, #tpu.memory_space<vmem>>, vector<1x1x16xf32>,
        %get3A_535 = vector.shape_cast %get3A_534 : vector<1x1x16xf32> to vector<16xf32>
        %add3A_536 = arith.addf %scan3A_495, %get3A_535 : vector<16xf32>
        %add3A_537 = arith.constant 0 : i32
        %add3A_538 = arith.addi %mul3A_501, %add3A_537 : i32
        %get3A_539 = arith.constant 1 : i32
        %get3A_540 = arith.index_cast %get3A_539 : i32 to index
        %get3A_541 = arith.index_cast %add3A_538 : i32 to index
        %get3A_542 = arith.constant 64 : index
        %get3A_543 = tpu.vector_load %arg6[%get3A_540, %get3A_541, %get3A_542] {strides = array<i32>} : memref<2x200x128xf32, #tpu.memory_space<vmem>>, vector<1x1x16xf32>,
        %get3A_544 = vector.shape_cast %get3A_543 : vector<1x1x16xf32> to vector<16xf32>
        %add3A_545 = arith.addf %scan3A_496, %get3A_544 : vector<16xf32>
        %add3A_546 = arith.constant 0 : i32
        %add3A_547 = arith.addi %mul3A_501, %add3A_546 : i32
        %get3A_548 = arith.constant 1 : i32
        %get3A_549 = arith.index_cast %get3A_548 : i32 to index
        %get3A_550 = arith.index_cast %add3A_547 : i32 to index
        %get3A_551 = arith.constant 80 : index
        %get3A_552 = tpu.vector_load %arg6[%get3A_549, %get3A_550, %get3A_551] {strides = array<i32>} : memref<2x200x128xf32, #tpu.memory_space<vmem>>, vector<1x1x16xf32>,
        %get3A_553 = vector.shape_cast %get3A_552 : vector<1x1x16xf32> to vector<16xf32>
        %add3A_554 = arith.addf %scan3A_497, %get3A_553 : vector<16xf32>
        %add3A_555 = arith.constant 0 : i32
        %add3A_556 = arith.addi %mul3A_501, %add3A_555 : i32
        %get3A_557 = arith.constant 1 : i32
        %get3A_558 = arith.index_cast %get3A_557 : i32 to index
        %get3A_559 = arith.index_cast %add3A_556 : i32 to index
        %get3A_560 = arith.constant 96 : index
        %get3A_561 = tpu.vector_load %arg6[%get3A_558, %get3A_559, %get3A_560] {strides = array<i32>} : memref<2x200x128xf32, #tpu.memory_space<vmem>>, vector<1x1x16xf32>,
        %get3A_562 = vector.shape_cast %get3A_561 : vector<1x1x16xf32> to vector<16xf32>
        %add3A_563 = arith.addf %scan3A_498, %get3A_562 : vector<16xf32>
        %add3A_564 = arith.constant 0 : i32
        %add3A_565 = arith.addi %mul3A_501, %add3A_564 : i32
        %get3A_566 = arith.constant 1 : i32
        %get3A_567 = arith.index_cast %get3A_566 : i32 to index
        %get3A_568 = arith.index_cast %add3A_565 : i32 to index
        %get3A_569 = arith.constant 112 : index
        %get3A_570 = tpu.vector_load %arg6[%get3A_567, %get3A_568, %get3A_569] {strides = array<i32>} : memref<2x200x128xf32, #tpu.memory_space<vmem>>, vector<1x1x16xf32>,
        %get3A_571 = vector.shape_cast %get3A_570 : vector<1x1x16xf32> to vector<16xf32>
        %add3A_572 = arith.addf %scan3A_499, %get3A_571 : vector<16xf32>
        %add3A_573 = arith.constant 1 : i32
        %add3A_574 = arith.addi %mul3A_501, %add3A_573 : i32
        %get3A_575 = arith.constant 1 : i32
        %get3A_576 = arith.index_cast %get3A_575 : i32 to index
        %get3A_577 = arith.index_cast %add3A_574 : i32 to index
        %get3A_578 = arith.constant 0 : index
        %get3A_579 = tpu.vector_load %arg6[%get3A_576, %get3A_577, %get3A_578] {strides = array<i32>} : memref<2x200x128xf32, #tpu.memory_space<vmem>>, vector<1x1x16xf32>,
        %get3A_580 = vector.shape_cast %get3A_579 : vector<1x1x16xf32> to vector<16xf32>
        %add3A_581 = arith.addf %add3A_509, %get3A_580 : vector<16xf32>
        %add3A_582 = arith.constant 1 : i32
        %add3A_583 = arith.addi %mul3A_501, %add3A_582 : i32
        %get3A_584 = arith.constant 1 : i32
        %get3A_585 = arith.index_cast %get3A_584 : i32 to index
        %get3A_586 = arith.index_cast %add3A_583 : i32 to index
        %get3A_587 = arith.constant 16 : index
        %get3A_588 = tpu.vector_load %arg6[%get3A_585, %get3A_586, %get3A_587] {strides = array<i32>} : memref<2x200x128xf32, #tpu.memory_space<vmem>>, vector<1x1x16xf32>,
        %get3A_589 = vector.shape_cast %get3A_588 : vector<1x1x16xf32> to vector<16xf32>
        %add3A_590 = arith.addf %add3A_518, %get3A_589 : vector<16xf32>
        %add3A_591 = arith.constant 1 : i32
        %add3A_592 = arith.addi %mul3A_501, %add3A_591 : i32
        %get3A_593 = arith.constant 1 : i32
        %get3A_594 = arith.index_cast %get3A_593 : i32 to index
        %get3A_595 = arith.index_cast %add3A_592 : i32 to index
        %get3A_596 = arith.constant 32 : index
        %get3A_597 = tpu.vector_load %arg6[%get3A_594, %get3A_595, %get3A_596] {strides = array<i32>} : memref<2x200x128xf32, #tpu.memory_space<vmem>>, vector<1x1x16xf32>,
        %get3A_598 = vector.shape_cast %get3A_597 : vector<1x1x16xf32> to vector<16xf32>
        %add3A_599 = arith.addf %add3A_527, %get3A_598 : vector<16xf32>
        %add3A_600 = arith.constant 1 : i32
        %add3A_601 = arith.addi %mul3A_501, %add3A_600 : i32
        %get3A_602 = arith.constant 1 : i32
        %get3A_603 = arith.index_cast %get3A_602 : i32 to index
        %get3A_604 = arith.index_cast %add3A_601 : i32 to index
        %get3A_605 = arith.constant 48 : index
        %get3A_606 = tpu.vector_load %arg6[%get3A_603, %get3A_604, %get3A_605] {strides = array<i32>} : memref<2x200x128xf32, #tpu.memory_space<vmem>>, vector<1x1x16xf32>,
        %get3A_607 = vector.shape_cast %get3A_606 : vector<1x1x16xf32> to vector<16xf32>
        %add3A_608 = arith.addf %add3A_536, %get3A_607 : vector<16xf32>
        %add3A_609 = arith.constant 1 : i32
        %add3A_610 = arith.addi %mul3A_501, %add3A_609 : i32
        %get3A_611 = arith.constant 1 : i32
        %get3A_612 = arith.index_cast %get3A_611 : i32 to index
        %get3A_613 = arith.index_cast %add3A_610 : i32 to index
        %get3A_614 = arith.constant 64 : index
        %get3A_615 = tpu.vector_load %arg6[%get3A_612, %get3A_613, %get3A_614] {strides = array<i32>} : memref<2x200x128xf32, #tpu.memory_space<vmem>>, vector<1x1x16xf32>,
        %get3A_616 = vector.shape_cast %get3A_615 : vector<1x1x16xf32> to vector<16xf32>
        %add3A_617 = arith.addf %add3A_545, %get3A_616 : vector<16xf32>
        %add3A_618 = arith.constant 1 : i32
        %add3A_619 = arith.addi %mul3A_501, %add3A_618 : i32
        %get3A_620 = arith.constant 1 : i32
        %get3A_621 = arith.index_cast %get3A_620 : i32 to index
        %get3A_622 = arith.index_cast %add3A_619 : i32 to index
        %get3A_623 = arith.constant 80 : index
        %get3A_624 = tpu.vector_load %arg6[%get3A_621, %get3A_622, %get3A_623] {strides = array<i32>} : memref<2x200x128xf32, #tpu.memory_space<vmem>>, vector<1x1x16xf32>,
        %get3A_625 = vector.shape_cast %get3A_624 : vector<1x1x16xf32> to vector<16xf32>
        %add3A_626 = arith.addf %add3A_554, %get3A_625 : vector<16xf32>
        %add3A_627 = arith.constant 1 : i32
        %add3A_628 = arith.addi %mul3A_501, %add3A_627 : i32
        %get3A_629 = arith.constant 1 : i32
        %get3A_630 = arith.index_cast %get3A_629 : i32 to index
        %get3A_631 = arith.index_cast %add3A_628 : i32 to index
        %get3A_632 = arith.constant 96 : index
        %get3A_633 = tpu.vector_load %arg6[%get3A_630, %get3A_631, %get3A_632] {strides = array<i32>} : memref<2x200x128xf32, #tpu.memory_space<vmem>>, vector<1x1x16xf32>,
        %get3A_634 = vector.shape_cast %get3A_633 : vector<1x1x16xf32> to vector<16xf32>
        %add3A_635 = arith.addf %add3A_563, %get3A_634 : vector<16xf32>
        %add3A_636 = arith.constant 1 : i32
        %add3A_637 = arith.addi %mul3A_501, %add3A_636 : i32
        %get3A_638 = arith.constant 1 : i32
        %get3A_639 = arith.index_cast %get3A_638 : i32 to index
        %get3A_640 = arith.index_cast %add3A_637 : i32 to index
        %get3A_641 = arith.constant 112 : index
        %get3A_642 = tpu.vector_load %arg6[%get3A_639, %get3A_640, %get3A_641] {strides = array<i32>} : memref<2x200x128xf32, #tpu.memory_space<vmem>>, vector<1x1x16xf32>,
        %get3A_643 = vector.shape_cast %get3A_642 : vector<1x1x16xf32> to vector<16xf32>
        %add3A_644 = arith.addf %add3A_572, %get3A_643 : vector<16xf32>
        %add3A_645 = arith.constant 2 : i32
        %add3A_646 = arith.addi %mul3A_501, %add3A_645 : i32
        %get3A_647 = arith.constant 1 : i32
        %get3A_648 = arith.index_cast %get3A_647 : i32 to index
        %get3A_649 = arith.index_cast %add3A_646 : i32 to index
        %get3A_650 = arith.constant 0 : index
        %get3A_651 = tpu.vector_load %arg6[%get3A_648, %get3A_649, %get3A_650] {strides = array<i32>} : memref<2x200x128xf32, #tpu.memory_space<vmem>>, vector<1x1x16xf32>,
        %get3A_652 = vector.shape_cast %get3A_651 : vector<1x1x16xf32> to vector<16xf32>
        %add3A_653 = arith.addf %add3A_581, %get3A_652 : vector<16xf32>
        %add3A_654 = arith.constant 2 : i32
        %add3A_655 = arith.addi %mul3A_501, %add3A_654 : i32
        %get3A_656 = arith.constant 1 : i32
        %get3A_657 = arith.index_cast %get3A_656 : i32 to index
        %get3A_658 = arith.index_cast %add3A_655 : i32 to index
        %get3A_659 = arith.constant 16 : index
        %get3A_660 = tpu.vector_load %arg6[%get3A_657, %get3A_658, %get3A_659] {strides = array<i32>} : memref<2x200x128xf32, #tpu.memory_space<vmem>>, vector<1x1x16xf32>,
        %get3A_661 = vector.shape_cast %get3A_660 : vector<1x1x16xf32> to vector<16xf32>
        %add3A_662 = arith.addf %add3A_590, %get3A_661 : vector<16xf32>
        %add3A_663 = arith.constant 2 : i32
        %add3A_664 = arith.addi %mul3A_501, %add3A_663 : i32
        %get3A_665 = arith.constant 1 : i32
        %get3A_666 = arith.index_cast %get3A_665 : i32 to index
        %get3A_667 = arith.index_cast %add3A_664 : i32 to index
        %get3A_668 = arith.constant 32 : index
        %get3A_669 = tpu.vector_load %arg6[%get3A_666, %get3A_667, %get3A_668] {strides = array<i32>} : memref<2x200x128xf32, #tpu.memory_space<vmem>>, vector<1x1x16xf32>,
        %get3A_670 = vector.shape_cast %get3A_669 : vector<1x1x16xf32> to vector<16xf32>
        %add3A_671 = arith.addf %add3A_599, %get3A_670 : vector<16xf32>
        %add3A_672 = arith.constant 2 : i32
        %add3A_673 = arith.addi %mul3A_501, %add3A_672 : i32
        %get3A_674 = arith.constant 1 : i32
        %get3A_675 = arith.index_cast %get3A_674 : i32 to index
        %get3A_676 = arith.index_cast %add3A_673 : i32 to index
        %get3A_677 = arith.constant 48 : index
        %get3A_678 = tpu.vector_load %arg6[%get3A_675, %get3A_676, %get3A_677] {strides = array<i32>} : memref<2x200x128xf32, #tpu.memory_space<vmem>>, vector<1x1x16xf32>,
        %get3A_679 = vector.shape_cast %get3A_678 : vector<1x1x16xf32> to vector<16xf32>
        %add3A_680 = arith.addf %add3A_608, %get3A_679 : vector<16xf32>
        %add3A_681 = arith.constant 2 : i32
        %add3A_682 = arith.addi %mul3A_501, %add3A_681 : i32
        %get3A_683 = arith.constant 1 : i32
        %get3A_684 = arith.index_cast %get3A_683 : i32 to index
        %get3A_685 = arith.index_cast %add3A_682 : i32 to index
        %get3A_686 = arith.constant 64 : index
        %get3A_687 = tpu.vector_load %arg6[%get3A_684, %get3A_685, %get3A_686] {strides = array<i32>} : memref<2x200x128xf32, #tpu.memory_space<vmem>>, vector<1x1x16xf32>,
        %get3A_688 = vector.shape_cast %get3A_687 : vector<1x1x16xf32> to vector<16xf32>
        %add3A_689 = arith.addf %add3A_617, %get3A_688 : vector<16xf32>
        %add3A_690 = arith.constant 2 : i32
        %add3A_691 = arith.addi %mul3A_501, %add3A_690 : i32
        %get3A_692 = arith.constant 1 : i32
        %get3A_693 = arith.index_cast %get3A_692 : i32 to index
        %get3A_694 = arith.index_cast %add3A_691 : i32 to index
        %get3A_695 = arith.constant 80 : index
        %get3A_696 = tpu.vector_load %arg6[%get3A_693, %get3A_694, %get3A_695] {strides = array<i32>} : memref<2x200x128xf32, #tpu.memory_space<vmem>>, vector<1x1x16xf32>,
        %get3A_697 = vector.shape_cast %get3A_696 : vector<1x1x16xf32> to vector<16xf32>
        %add3A_698 = arith.addf %add3A_626, %get3A_697 : vector<16xf32>
        %add3A_699 = arith.constant 2 : i32
        %add3A_700 = arith.addi %mul3A_501, %add3A_699 : i32
        %get3A_701 = arith.constant 1 : i32
        %get3A_702 = arith.index_cast %get3A_701 : i32 to index
        %get3A_703 = arith.index_cast %add3A_700 : i32 to index
        %get3A_704 = arith.constant 96 : index
        %get3A_705 = tpu.vector_load %arg6[%get3A_702, %get3A_703, %get3A_704] {strides = array<i32>} : memref<2x200x128xf32, #tpu.memory_space<vmem>>, vector<1x1x16xf32>,
        %get3A_706 = vector.shape_cast %get3A_705 : vector<1x1x16xf32> to vector<16xf32>
        %add3A_707 = arith.addf %add3A_635, %get3A_706 : vector<16xf32>
        %add3A_708 = arith.constant 2 : i32
        %add3A_709 = arith.addi %mul3A_501, %add3A_708 : i32
        %get3A_710 = arith.constant 1 : i32
        %get3A_711 = arith.index_cast %get3A_710 : i32 to index
        %get3A_712 = arith.index_cast %add3A_709 : i32 to index
        %get3A_713 = arith.constant 112 : index
        %get3A_714 = tpu.vector_load %arg6[%get3A_711, %get3A_712, %get3A_713] {strides = array<i32>} : memref<2x200x128xf32, #tpu.memory_space<vmem>>, vector<1x1x16xf32>,
        %get3A_715 = vector.shape_cast %get3A_714 : vector<1x1x16xf32> to vector<16xf32>
        %add3A_716 = arith.addf %add3A_644, %get3A_715 : vector<16xf32>
        %add3A_717 = arith.constant 3 : i32
        %add3A_718 = arith.addi %mul3A_501, %add3A_717 : i32
        %get3A_719 = arith.constant 1 : i32
        %get3A_720 = arith.index_cast %get3A_719 : i32 to index
        %get3A_721 = arith.index_cast %add3A_718 : i32 to index
        %get3A_722 = arith.constant 0 : index
        %get3A_723 = tpu.vector_load %arg6[%get3A_720, %get3A_721, %get3A_722] {strides = array<i32>} : memref<2x200x128xf32, #tpu.memory_space<vmem>>, vector<1x1x16xf32>,
        %get3A_724 = vector.shape_cast %get3A_723 : vector<1x1x16xf32> to vector<16xf32>
        %add3A_725 = arith.addf %add3A_653, %get3A_724 : vector<16xf32>
        %add3A_726 = arith.constant 3 : i32
        %add3A_727 = arith.addi %mul3A_501, %add3A_726 : i32
        %get3A_728 = arith.constant 1 : i32
        %get3A_729 = arith.index_cast %get3A_728 : i32 to index
        %get3A_730 = arith.index_cast %add3A_727 : i32 to index
        %get3A_731 = arith.constant 16 : index
        %get3A_732 = tpu.vector_load %arg6[%get3A_729, %get3A_730, %get3A_731] {strides = array<i32>} : memref<2x200x128xf32, #tpu.memory_space<vmem>>, vector<1x1x16xf32>,
        %get3A_733 = vector.shape_cast %get3A_732 : vector<1x1x16xf32> to vector<16xf32>
        %add3A_734 = arith.addf %add3A_662, %get3A_733 : vector<16xf32>
        %add3A_735 = arith.constant 3 : i32
        %add3A_736 = arith.addi %mul3A_501, %add3A_735 : i32
        %get3A_737 = arith.constant 1 : i32
        %get3A_738 = arith.index_cast %get3A_737 : i32 to index
        %get3A_739 = arith.index_cast %add3A_736 : i32 to index
        %get3A_740 = arith.constant 32 : index
        %get3A_741 = tpu.vector_load %arg6[%get3A_738, %get3A_739, %get3A_740] {strides = array<i32>} : memref<2x200x128xf32, #tpu.memory_space<vmem>>, vector<1x1x16xf32>,
        %get3A_742 = vector.shape_cast %get3A_741 : vector<1x1x16xf32> to vector<16xf32>
        %add3A_743 = arith.addf %add3A_671, %get3A_742 : vector<16xf32>
        %add3A_744 = arith.constant 3 : i32
        %add3A_745 = arith.addi %mul3A_501, %add3A_744 : i32
        %get3A_746 = arith.constant 1 : i32
        %get3A_747 = arith.index_cast %get3A_746 : i32 to index
        %get3A_748 = arith.index_cast %add3A_745 : i32 to index
        %get3A_749 = arith.constant 48 : index
        %get3A_750 = tpu.vector_load %arg6[%get3A_747, %get3A_748, %get3A_749] {strides = array<i32>} : memref<2x200x128xf32, #tpu.memory_space<vmem>>, vector<1x1x16xf32>,
        %get3A_751 = vector.shape_cast %get3A_750 : vector<1x1x16xf32> to vector<16xf32>
        %add3A_752 = arith.addf %add3A_680, %get3A_751 : vector<16xf32>
        %add3A_753 = arith.constant 3 : i32
        %add3A_754 = arith.addi %mul3A_501, %add3A_753 : i32
        %get3A_755 = arith.constant 1 : i32
        %get3A_756 = arith.index_cast %get3A_755 : i32 to index
        %get3A_757 = arith.index_cast %add3A_754 : i32 to index
        %get3A_758 = arith.constant 64 : index
        %get3A_759 = tpu.vector_load %arg6[%get3A_756, %get3A_757, %get3A_758] {strides = array<i32>} : memref<2x200x128xf32, #tpu.memory_space<vmem>>, vector<1x1x16xf32>,
        %get3A_760 = vector.shape_cast %get3A_759 : vector<1x1x16xf32> to vector<16xf32>
        %add3A_761 = arith.addf %add3A_689, %get3A_760 : vector<16xf32>
        %add3A_762 = arith.constant 3 : i32
        %add3A_763 = arith.addi %mul3A_501, %add3A_762 : i32
        %get3A_764 = arith.constant 1 : i32
        %get3A_765 = arith.index_cast %get3A_764 : i32 to index
        %get3A_766 = arith.index_cast %add3A_763 : i32 to index
        %get3A_767 = arith.constant 80 : index
        %get3A_768 = tpu.vector_load %arg6[%get3A_765, %get3A_766, %get3A_767] {strides = array<i32>} : memref<2x200x128xf32, #tpu.memory_space<vmem>>, vector<1x1x16xf32>,
        %get3A_769 = vector.shape_cast %get3A_768 : vector<1x1x16xf32> to vector<16xf32>
        %add3A_770 = arith.addf %add3A_698, %get3A_769 : vector<16xf32>
        %add3A_771 = arith.constant 3 : i32
        %add3A_772 = arith.addi %mul3A_501, %add3A_771 : i32
        %get3A_773 = arith.constant 1 : i32
        %get3A_774 = arith.index_cast %get3A_773 : i32 to index
        %get3A_775 = arith.index_cast %add3A_772 : i32 to index
        %get3A_776 = arith.constant 96 : index
        %get3A_777 = tpu.vector_load %arg6[%get3A_774, %get3A_775, %get3A_776] {strides = array<i32>} : memref<2x200x128xf32, #tpu.memory_space<vmem>>, vector<1x1x16xf32>,
        %get3A_778 = vector.shape_cast %get3A_777 : vector<1x1x16xf32> to vector<16xf32>
        %add3A_779 = arith.addf %add3A_707, %get3A_778 : vector<16xf32>
        %add3A_780 = arith.constant 3 : i32
        %add3A_781 = arith.addi %mul3A_501, %add3A_780 : i32
        %get3A_782 = arith.constant 1 : i32
        %get3A_783 = arith.index_cast %get3A_782 : i32 to index
        %get3A_784 = arith.index_cast %add3A_781 : i32 to index
        %get3A_785 = arith.constant 112 : index
        %get3A_786 = tpu.vector_load %arg6[%get3A_783, %get3A_784, %get3A_785] {strides = array<i32>} : memref<2x200x128xf32, #tpu.memory_space<vmem>>, vector<1x1x16xf32>,
        %get3A_787 = vector.shape_cast %get3A_786 : vector<1x1x16xf32> to vector<16xf32>
        %add3A_788 = arith.addf %add3A_716, %get3A_787 : vector<16xf32>
        scf.yield %add3A_725, %add3A_734, %add3A_743, %add3A_752, %add3A_761, %add3A_770, %add3A_779, %add3A_788 : vector<16xf32>, vector<16xf32>, vector<16xf32>, vector<16xf32>, vector<16xf32>, vector<16xf32>, vector<16xf32>, vector<16xf32>
      }
      %scan3A_420 = arith.constant 50 : i32
      %swap3A_421 = arith.index_cast %add3A_398 : i32 to index
      %swap3A_422 = arith.constant 0 : index
      %swap3A_423 = tpu.vector_load %arg7[%swap3A_421, %swap3A_422] {strides = array<i32>} : memref<128x128xf32, #tpu.memory_space<vmem>>, vector<1x16xf32>,
      %swap3A_424 = vector.shape_cast %swap3A_423 : vector<1x16xf32> to vector<16xf32>
      %swap3A_425 = vector.shape_cast %scan3A_419#0 : vector<16xf32> to vector<1x16xf32>
      tpu.vector_store %arg7[%swap3A_421, %swap3A_422], %swap3A_425 {strides = array<i32>} : memref<128x128xf32, #tpu.memory_space<vmem>>, vector<1x16xf32>,
      %swap3A_426 = arith.index_cast %add3A_398 : i32 to index
      %swap3A_427 = arith.constant 16 : index
      %swap3A_428 = tpu.vector_load %arg7[%swap3A_426, %swap3A_427] {strides = array<i32>} : memref<128x128xf32, #tpu.memory_space<vmem>>, vector<1x16xf32>,
      %swap3A_429 = vector.shape_cast %swap3A_428 : vector<1x16xf32> to vector<16xf32>
      %swap3A_430 = vector.shape_cast %scan3A_419#1 : vector<16xf32> to vector<1x16xf32>
      tpu.vector_store %arg7[%swap3A_426, %swap3A_427], %swap3A_430 {strides = array<i32>} : memref<128x128xf32, #tpu.memory_space<vmem>>, vector<1x16xf32>,
      %swap3A_431 = arith.index_cast %add3A_398 : i32 to index
      %swap3A_432 = arith.constant 32 : index
      %swap3A_433 = tpu.vector_load %arg7[%swap3A_431, %swap3A_432] {strides = array<i32>} : memref<128x128xf32, #tpu.memory_space<vmem>>, vector<1x16xf32>,
      %swap3A_434 = vector.shape_cast %swap3A_433 : vector<1x16xf32> to vector<16xf32>
      %swap3A_435 = vector.shape_cast %scan3A_419#2 : vector<16xf32> to vector<1x16xf32>
      tpu.vector_store %arg7[%swap3A_431, %swap3A_432], %swap3A_435 {strides = array<i32>} : memref<128x128xf32, #tpu.memory_space<vmem>>, vector<1x16xf32>,
      %swap3A_436 = arith.index_cast %add3A_398 : i32 to index
      %swap3A_437 = arith.constant 48 : index
      %swap3A_438 = tpu.vector_load %arg7[%swap3A_436, %swap3A_437] {strides = array<i32>} : memref<128x128xf32, #tpu.memory_space<vmem>>, vector<1x16xf32>,
      %swap3A_439 = vector.shape_cast %swap3A_438 : vector<1x16xf32> to vector<16xf32>
      %swap3A_440 = vector.shape_cast %scan3A_419#3 : vector<16xf32> to vector<1x16xf32>
      tpu.vector_store %arg7[%swap3A_436, %swap3A_437], %swap3A_440 {strides = array<i32>} : memref<128x128xf32, #tpu.memory_space<vmem>>, vector<1x16xf32>,
      %swap3A_441 = arith.index_cast %add3A_398 : i32 to index
      %swap3A_442 = arith.constant 64 : index
      %swap3A_443 = tpu.vector_load %arg7[%swap3A_441, %swap3A_442] {strides = array<i32>} : memref<128x128xf32, #tpu.memory_space<vmem>>, vector<1x16xf32>,
      %swap3A_444 = vector.shape_cast %swap3A_443 : vector<1x16xf32> to vector<16xf32>
      %swap3A_445 = vector.shape_cast %scan3A_419#4 : vector<16xf32> to vector<1x16xf32>
      tpu.vector_store %arg7[%swap3A_441, %swap3A_442], %swap3A_445 {strides = array<i32>} : memref<128x128xf32, #tpu.memory_space<vmem>>, vector<1x16xf32>,
      %swap3A_446 = arith.index_cast %add3A_398 : i32 to index
      %swap3A_447 = arith.constant 80 : index
      %swap3A_448 = tpu.vector_load %arg7[%swap3A_446, %swap3A_447] {strides = array<i32>} : memref<128x128xf32, #tpu.memory_space<vmem>>, vector<1x16xf32>,
      %swap3A_449 = vector.shape_cast %swap3A_448 : vector<1x16xf32> to vector<16xf32>
      %swap3A_450 = vector.shape_cast %scan3A_419#5 : vector<16xf32> to vector<1x16xf32>
      tpu.vector_store %arg7[%swap3A_446, %swap3A_447], %swap3A_450 {strides = array<i32>} : memref<128x128xf32, #tpu.memory_space<vmem>>, vector<1x16xf32>,
      %swap3A_451 = arith.index_cast %add3A_398 : i32 to index
      %swap3A_452 = arith.constant 96 : index
      %swap3A_453 = tpu.vector_load %arg7[%swap3A_451, %swap3A_452] {strides = array<i32>} : memref<128x128xf32, #tpu.memory_space<vmem>>, vector<1x16xf32>,
      %swap3A_454 = vector.shape_cast %swap3A_453 : vector<1x16xf32> to vector<16xf32>
      %swap3A_455 = vector.shape_cast %scan3A_419#6 : vector<16xf32> to vector<1x16xf32>
      tpu.vector_store %arg7[%swap3A_451, %swap3A_452], %swap3A_455 {strides = array<i32>} : memref<128x128xf32, #tpu.memory_space<vmem>>, vector<1x16xf32>,
      %swap3A_456 = arith.index_cast %add3A_398 : i32 to index
      %swap3A_457 = arith.constant 112 : index
      %swap3A_458 = tpu.vector_load %arg7[%swap3A_456, %swap3A_457] {strides = array<i32>} : memref<128x128xf32, #tpu.memory_space<vmem>>, vector<1x16xf32>,
      %swap3A_459 = vector.shape_cast %swap3A_458 : vector<1x16xf32> to vector<16xf32>
      %swap3A_460 = vector.shape_cast %scan3A_419#7 : vector<16xf32> to vector<1x16xf32>
      tpu.vector_store %arg7[%swap3A_456, %swap3A_457], %swap3A_460 {strides = array<i32>} : memref<128x128xf32, #tpu.memory_space<vmem>>, vector<1x16xf32>,
      %add3A_461 = arith.constant 3 : i32
      %add3A_462 = arith.addi %mul3A_252, %add3A_461 : i32
      %mul3A_463 = arith.constant 200 : i32
      %mul3A_464 = arith.muli %add3A_462, %mul3A_463 : i32
      %dma_start3A_465 = arith.constant 1 : i32
      %dma_start3A_466 = arith.constant 0 : i32
      %dma_start3A_467 = arith.constant 0 : i32
      %dma_start3A_468 = tpu.memref_slice %arg6[%dma_start3A_465, %dma_start3A_466, %dma_start3A_467] : memref<2x200x128xf32, #tpu.memory_space<vmem>> -> memref<1x200x128xf32, #tpu.memory_space<vmem>>
      %dma_start3A_469 = tpu.memref_squeeze %dma_start3A_468 : memref<1x200x128xf32, #tpu.memory_space<vmem>> -> memref<200x128xf32, #tpu.memory_space<vmem>>
      %dma_start3A_470 = arith.constant 0 : i32
      %dma_start3A_471 = arith.constant 0 : i32
      %dma_start3A_472 = tpu.memref_slice %dma_start3A_469[%dma_start3A_470, %dma_start3A_471] : memref<200x128xf32, #tpu.memory_space<vmem>> -> memref<128x128xf32, #tpu.memory_space<vmem>>
      %dma_start3A_473 = tpu.memref_slice %arg5[%mul3A_464] : memref<25600xi32, #tpu.memory_space<vmem>> -> memref<128xi32, #tpu.memory_space<vmem>>
      %dma_start3A_474 = arith.constant 0 : i32
      %dma_start3A_475 = arith.constant 0 : i32
      %dma_start3A_476 = tpu.memref_slice %arg3[%dma_start3A_474, %dma_start3A_475] : memref<100000x128xf32, #tpu.memory_space<hbm>> -> memref<100000x128xf32, #tpu.memory_space<hbm>>
      tpu.enqueue_indirect_dma source(%dma_start3A_476 : memref<100000x128xf32, #tpu.memory_space<hbm>>) target(%dma_start3A_472 : memref<128x128xf32, #tpu.memory_space<vmem>>) offsets(%dma_start3A_473 : memref<128xi32, #tpu.memory_space<vmem>>) semaphore(%arg9 : memref<!tpu.dma_semaphore, #tpu.memory_space<semaphore_mem>>)
      %add3A_477 = arith.constant 128 : i32
      %add3A_478 = arith.addi %mul3A_464, %add3A_477 : i32
      %dma_start3A_479 = arith.constant 1 : i32
      %dma_start3A_480 = arith.constant 0 : i32
      %dma_start3A_481 = arith.constant 0 : i32
      %dma_start3A_482 = tpu.memref_slice %arg6[%dma_start3A_479, %dma_start3A_480, %dma_start3A_481] : memref<2x200x128xf32, #tpu.memory_space<vmem>> -> memref<1x200x128xf32, #tpu.memory_space<vmem>>
      %dma_start3A_483 = tpu.memref_squeeze %dma_start3A_482 : memref<1x200x128xf32, #tpu.memory_space<vmem>> -> memref<200x128xf32, #tpu.memory_space<vmem>>
      %dma_start3A_484 = arith.constant 128 : i32
      %dma_start3A_485 = arith.constant 0 : i32
      %dma_start3A_486 = tpu.memref_slice %dma_start3A_483[%dma_start3A_484, %dma_start3A_485] : memref<200x128xf32, #tpu.memory_space<vmem>> -> memref<72x128xf32, #tpu.memory_space<vmem>>
      %dma_start3A_487 = tpu.memref_slice %arg5[%add3A_478] : memref<25600xi32, #tpu.memory_space<vmem>> -> memref<72xi32, #tpu.memory_space<vmem>>
      %dma_start3A_488 = arith.constant 0 : i32
      %dma_start3A_489 = arith.constant 0 : i32
      %dma_start3A_490 = tpu.memref_slice %arg3[%dma_start3A_488, %dma_start3A_489] : memref<100000x128xf32, #tpu.memory_space<hbm>> -> memref<100000x128xf32, #tpu.memory_space<hbm>>
      tpu.enqueue_indirect_dma source(%dma_start3A_490 : memref<100000x128xf32, #tpu.memory_space<hbm>>) target(%dma_start3A_486 : memref<72x128xf32, #tpu.memory_space<vmem>>) offsets(%dma_start3A_487 : memref<72xi32, #tpu.memory_space<vmem>>) semaphore(%arg9 : memref<!tpu.dma_semaphore, #tpu.memory_space<semaphore_mem>>)
    }
    %scan3A_58 = arith.constant 63 : i32
    %dma_wait3A = arith.constant 0 : i32
    %dma_wait3A_59 = arith.constant 0 : i32
    %dma_wait3A_60 = arith.constant 0 : i32
    %dma_wait3A_61 = tpu.memref_slice %arg6[%dma_wait3A, %dma_wait3A_59, %dma_wait3A_60] : memref<2x200x128xf32, #tpu.memory_space<vmem>> -> memref<1x200x128xf32, #tpu.memory_space<vmem>>
    %dma_wait3A_62 = tpu.memref_squeeze %dma_wait3A_61 : memref<1x200x128xf32, #tpu.memory_space<vmem>> -> memref<200x128xf32, #tpu.memory_space<vmem>>
    %dma_wait3A_63 = arith.constant 0 : i32
    %dma_wait3A_64 = arith.constant 0 : i32
    %dma_wait3A_65 = tpu.memref_slice %dma_wait3A_62[%dma_wait3A_63, %dma_wait3A_64] : memref<200x128xf32, #tpu.memory_space<vmem>> -> memref<128x128xf32, #tpu.memory_space<vmem>>
    %dma_wait3A_66 = arith.constant 0 : i32
    %dma_wait3A_67 = tpu.memref_slice %arg5[%dma_wait3A_66] : memref<25600xi32, #tpu.memory_space<vmem>> -> memref<128xi32, #tpu.memory_space<vmem>>
    %dma_wait3A_68 = arith.constant 0 : i32
    %dma_wait3A_69 = arith.constant 0 : i32
    %dma_wait3A_70 = tpu.memref_slice %arg3[%dma_wait3A_68, %dma_wait3A_69] : memref<100000x128xf32, #tpu.memory_space<hbm>> -> memref<100000x128xf32, #tpu.memory_space<hbm>>
    tpu.wait_indirect_dma semaphore(%arg8 : memref<!tpu.dma_semaphore, #tpu.memory_space<semaphore_mem>>) src(%dma_wait3A_70 : memref<100000x128xf32, #tpu.memory_space<hbm>>) dst(%dma_wait3A_65 : memref<128x128xf32, #tpu.memory_space<vmem>>)
    %dma_wait3A_71 = arith.constant 0 : i32
    %dma_wait3A_72 = arith.constant 0 : i32
    %dma_wait3A_73 = arith.constant 0 : i32
    %dma_wait3A_74 = tpu.memref_slice %arg6[%dma_wait3A_71, %dma_wait3A_72, %dma_wait3A_73] : memref<2x200x128xf32, #tpu.memory_space<vmem>> -> memref<1x200x128xf32, #tpu.memory_space<vmem>>
    %dma_wait3A_75 = tpu.memref_squeeze %dma_wait3A_74 : memref<1x200x128xf32, #tpu.memory_space<vmem>> -> memref<200x128xf32, #tpu.memory_space<vmem>>
    %dma_wait3A_76 = arith.constant 128 : i32
    %dma_wait3A_77 = arith.constant 0 : i32
    %dma_wait3A_78 = tpu.memref_slice %dma_wait3A_75[%dma_wait3A_76, %dma_wait3A_77] : memref<200x128xf32, #tpu.memory_space<vmem>> -> memref<72x128xf32, #tpu.memory_space<vmem>>
    %dma_wait3A_79 = arith.constant 0 : i32
    %dma_wait3A_80 = tpu.memref_slice %arg5[%dma_wait3A_79] : memref<25600xi32, #tpu.memory_space<vmem>> -> memref<72xi32, #tpu.memory_space<vmem>>
    %dma_wait3A_81 = arith.constant 0 : i32
    %dma_wait3A_82 = arith.constant 0 : i32
    %dma_wait3A_83 = tpu.memref_slice %arg3[%dma_wait3A_81, %dma_wait3A_82] : memref<100000x128xf32, #tpu.memory_space<hbm>> -> memref<100000x128xf32, #tpu.memory_space<hbm>>
    tpu.wait_indirect_dma semaphore(%arg8 : memref<!tpu.dma_semaphore, #tpu.memory_space<semaphore_mem>>) src(%dma_wait3A_83 : memref<100000x128xf32, #tpu.memory_space<hbm>>) dst(%dma_wait3A_78 : memref<72x128xf32, #tpu.memory_space<vmem>>)
    %broadcast_in_dim3A = arith.constant 0.000000e+00 : f32
    %broadcast_in_dim3A_84 = vector.broadcast %broadcast_in_dim3A : f32 to vector<16xf32>
    %broadcast_in_dim3A_85 = arith.constant 0.000000e+00 : f32
    %broadcast_in_dim3A_86 = vector.broadcast %broadcast_in_dim3A_85 : f32 to vector<16xf32>
    %broadcast_in_dim3A_87 = arith.constant 0.000000e+00 : f32
    %broadcast_in_dim3A_88 = vector.broadcast %broadcast_in_dim3A_87 : f32 to vector<16xf32>
    %broadcast_in_dim3A_89 = arith.constant 0.000000e+00 : f32
    %broadcast_in_dim3A_90 = vector.broadcast %broadcast_in_dim3A_89 : f32 to vector<16xf32>
    %broadcast_in_dim3A_91 = arith.constant 0.000000e+00 : f32
    %broadcast_in_dim3A_92 = vector.broadcast %broadcast_in_dim3A_91 : f32 to vector<16xf32>
    %broadcast_in_dim3A_93 = arith.constant 0.000000e+00 : f32
    %broadcast_in_dim3A_94 = vector.broadcast %broadcast_in_dim3A_93 : f32 to vector<16xf32>
    %broadcast_in_dim3A_95 = arith.constant 0.000000e+00 : f32
    %broadcast_in_dim3A_96 = vector.broadcast %broadcast_in_dim3A_95 : f32 to vector<16xf32>
    %broadcast_in_dim3A_97 = arith.constant 0.000000e+00 : f32
    %broadcast_in_dim3A_98 = vector.broadcast %broadcast_in_dim3A_97 : f32 to vector<16xf32>
    %scan3A_99 = arith.constant 0 : i32
    %scan3A_100 = arith.constant 50 : i32
    %scan3A_101 = arith.addi %scan3A_99, %scan3A_100 : i32
    %scan3A_102 = arith.constant 1 : i32
    %scan3A_103:8 = scf.for %scan3A_250 = %scan3A_99 to %scan3A_101 step %scan3A_102 iter_args(%scan3A_251 = %broadcast_in_dim3A_84, %scan3A_252 = %broadcast_in_dim3A_86, %scan3A_253 = %broadcast_in_dim3A_88, %scan3A_254 = %broadcast_in_dim3A_90, %scan3A_255 = %broadcast_in_dim3A_92, %scan3A_256 = %broadcast_in_dim3A_94, %scan3A_257 = %broadcast_in_dim3A_96, %scan3A_258 = %broadcast_in_dim3A_98) -> (vector<16xf32>, vector<16xf32>, vector<16xf32>, vector<16xf32>, vector<16xf32>, vector<16xf32>, vector<16xf32>, vector<16xf32>)  : i32 {
      %mul3A_259 = arith.constant 4 : i32
      %mul3A_260 = arith.muli %scan3A_250, %mul3A_259 : i32
      %add3A_261 = arith.constant 0 : i32
      %add3A_262 = arith.addi %mul3A_260, %add3A_261 : i32
      %get3A = arith.constant 0 : i32
      %get3A_263 = arith.index_cast %get3A : i32 to index
      %get3A_264 = arith.index_cast %add3A_262 : i32 to index
      %get3A_265 = arith.constant 0 : index
      %get3A_266 = tpu.vector_load %arg6[%get3A_263, %get3A_264, %get3A_265] {strides = array<i32>} : memref<2x200x128xf32, #tpu.memory_space<vmem>>, vector<1x1x16xf32>,
      %get3A_267 = vector.shape_cast %get3A_266 : vector<1x1x16xf32> to vector<16xf32>
      %add3A_268 = arith.addf %scan3A_251, %get3A_267 : vector<16xf32>
      %add3A_269 = arith.constant 0 : i32
      %add3A_270 = arith.addi %mul3A_260, %add3A_269 : i32
      %get3A_271 = arith.constant 0 : i32
      %get3A_272 = arith.index_cast %get3A_271 : i32 to index
      %get3A_273 = arith.index_cast %add3A_270 : i32 to index
      %get3A_274 = arith.constant 16 : index
      %get3A_275 = tpu.vector_load %arg6[%get3A_272, %get3A_273, %get3A_274] {strides = array<i32>} : memref<2x200x128xf32, #tpu.memory_space<vmem>>, vector<1x1x16xf32>,
      %get3A_276 = vector.shape_cast %get3A_275 : vector<1x1x16xf32> to vector<16xf32>
      %add3A_277 = arith.addf %scan3A_252, %get3A_276 : vector<16xf32>
      %add3A_278 = arith.constant 0 : i32
      %add3A_279 = arith.addi %mul3A_260, %add3A_278 : i32
      %get3A_280 = arith.constant 0 : i32
      %get3A_281 = arith.index_cast %get3A_280 : i32 to index
      %get3A_282 = arith.index_cast %add3A_279 : i32 to index
      %get3A_283 = arith.constant 32 : index
      %get3A_284 = tpu.vector_load %arg6[%get3A_281, %get3A_282, %get3A_283] {strides = array<i32>} : memref<2x200x128xf32, #tpu.memory_space<vmem>>, vector<1x1x16xf32>,
      %get3A_285 = vector.shape_cast %get3A_284 : vector<1x1x16xf32> to vector<16xf32>
      %add3A_286 = arith.addf %scan3A_253, %get3A_285 : vector<16xf32>
      %add3A_287 = arith.constant 0 : i32
      %add3A_288 = arith.addi %mul3A_260, %add3A_287 : i32
      %get3A_289 = arith.constant 0 : i32
      %get3A_290 = arith.index_cast %get3A_289 : i32 to index
      %get3A_291 = arith.index_cast %add3A_288 : i32 to index
      %get3A_292 = arith.constant 48 : index
      %get3A_293 = tpu.vector_load %arg6[%get3A_290, %get3A_291, %get3A_292] {strides = array<i32>} : memref<2x200x128xf32, #tpu.memory_space<vmem>>, vector<1x1x16xf32>,
      %get3A_294 = vector.shape_cast %get3A_293 : vector<1x1x16xf32> to vector<16xf32>
      %add3A_295 = arith.addf %scan3A_254, %get3A_294 : vector<16xf32>
      %add3A_296 = arith.constant 0 : i32
      %add3A_297 = arith.addi %mul3A_260, %add3A_296 : i32
      %get3A_298 = arith.constant 0 : i32
      %get3A_299 = arith.index_cast %get3A_298 : i32 to index
      %get3A_300 = arith.index_cast %add3A_297 : i32 to index
      %get3A_301 = arith.constant 64 : index
      %get3A_302 = tpu.vector_load %arg6[%get3A_299, %get3A_300, %get3A_301] {strides = array<i32>} : memref<2x200x128xf32, #tpu.memory_space<vmem>>, vector<1x1x16xf32>,
      %get3A_303 = vector.shape_cast %get3A_302 : vector<1x1x16xf32> to vector<16xf32>
      %add3A_304 = arith.addf %scan3A_255, %get3A_303 : vector<16xf32>
      %add3A_305 = arith.constant 0 : i32
      %add3A_306 = arith.addi %mul3A_260, %add3A_305 : i32
      %get3A_307 = arith.constant 0 : i32
      %get3A_308 = arith.index_cast %get3A_307 : i32 to index
      %get3A_309 = arith.index_cast %add3A_306 : i32 to index
      %get3A_310 = arith.constant 80 : index
      %get3A_311 = tpu.vector_load %arg6[%get3A_308, %get3A_309, %get3A_310] {strides = array<i32>} : memref<2x200x128xf32, #tpu.memory_space<vmem>>, vector<1x1x16xf32>,
      %get3A_312 = vector.shape_cast %get3A_311 : vector<1x1x16xf32> to vector<16xf32>
      %add3A_313 = arith.addf %scan3A_256, %get3A_312 : vector<16xf32>
      %add3A_314 = arith.constant 0 : i32
      %add3A_315 = arith.addi %mul3A_260, %add3A_314 : i32
      %get3A_316 = arith.constant 0 : i32
      %get3A_317 = arith.index_cast %get3A_316 : i32 to index
      %get3A_318 = arith.index_cast %add3A_315 : i32 to index
      %get3A_319 = arith.constant 96 : index
      %get3A_320 = tpu.vector_load %arg6[%get3A_317, %get3A_318, %get3A_319] {strides = array<i32>} : memref<2x200x128xf32, #tpu.memory_space<vmem>>, vector<1x1x16xf32>,
      %get3A_321 = vector.shape_cast %get3A_320 : vector<1x1x16xf32> to vector<16xf32>
      %add3A_322 = arith.addf %scan3A_257, %get3A_321 : vector<16xf32>
      %add3A_323 = arith.constant 0 : i32
      %add3A_324 = arith.addi %mul3A_260, %add3A_323 : i32
      %get3A_325 = arith.constant 0 : i32
      %get3A_326 = arith.index_cast %get3A_325 : i32 to index
      %get3A_327 = arith.index_cast %add3A_324 : i32 to index
      %get3A_328 = arith.constant 112 : index
      %get3A_329 = tpu.vector_load %arg6[%get3A_326, %get3A_327, %get3A_328] {strides = array<i32>} : memref<2x200x128xf32, #tpu.memory_space<vmem>>, vector<1x1x16xf32>,
      %get3A_330 = vector.shape_cast %get3A_329 : vector<1x1x16xf32> to vector<16xf32>
      %add3A_331 = arith.addf %scan3A_258, %get3A_330 : vector<16xf32>
      %add3A_332 = arith.constant 1 : i32
      %add3A_333 = arith.addi %mul3A_260, %add3A_332 : i32
      %get3A_334 = arith.constant 0 : i32
      %get3A_335 = arith.index_cast %get3A_334 : i32 to index
      %get3A_336 = arith.index_cast %add3A_333 : i32 to index
      %get3A_337 = arith.constant 0 : index
      %get3A_338 = tpu.vector_load %arg6[%get3A_335, %get3A_336, %get3A_337] {strides = array<i32>} : memref<2x200x128xf32, #tpu.memory_space<vmem>>, vector<1x1x16xf32>,
      %get3A_339 = vector.shape_cast %get3A_338 : vector<1x1x16xf32> to vector<16xf32>
      %add3A_340 = arith.addf %add3A_268, %get3A_339 : vector<16xf32>
      %add3A_341 = arith.constant 1 : i32
      %add3A_342 = arith.addi %mul3A_260, %add3A_341 : i32
      %get3A_343 = arith.constant 0 : i32
      %get3A_344 = arith.index_cast %get3A_343 : i32 to index
      %get3A_345 = arith.index_cast %add3A_342 : i32 to index
      %get3A_346 = arith.constant 16 : index
      %get3A_347 = tpu.vector_load %arg6[%get3A_344, %get3A_345, %get3A_346] {strides = array<i32>} : memref<2x200x128xf32, #tpu.memory_space<vmem>>, vector<1x1x16xf32>,
      %get3A_348 = vector.shape_cast %get3A_347 : vector<1x1x16xf32> to vector<16xf32>
      %add3A_349 = arith.addf %add3A_277, %get3A_348 : vector<16xf32>
      %add3A_350 = arith.constant 1 : i32
      %add3A_351 = arith.addi %mul3A_260, %add3A_350 : i32
      %get3A_352 = arith.constant 0 : i32
      %get3A_353 = arith.index_cast %get3A_352 : i32 to index
      %get3A_354 = arith.index_cast %add3A_351 : i32 to index
      %get3A_355 = arith.constant 32 : index
      %get3A_356 = tpu.vector_load %arg6[%get3A_353, %get3A_354, %get3A_355] {strides = array<i32>} : memref<2x200x128xf32, #tpu.memory_space<vmem>>, vector<1x1x16xf32>,
      %get3A_357 = vector.shape_cast %get3A_356 : vector<1x1x16xf32> to vector<16xf32>
      %add3A_358 = arith.addf %add3A_286, %get3A_357 : vector<16xf32>
      %add3A_359 = arith.constant 1 : i32
      %add3A_360 = arith.addi %mul3A_260, %add3A_359 : i32
      %get3A_361 = arith.constant 0 : i32
      %get3A_362 = arith.index_cast %get3A_361 : i32 to index
      %get3A_363 = arith.index_cast %add3A_360 : i32 to index
      %get3A_364 = arith.constant 48 : index
      %get3A_365 = tpu.vector_load %arg6[%get3A_362, %get3A_363, %get3A_364] {strides = array<i32>} : memref<2x200x128xf32, #tpu.memory_space<vmem>>, vector<1x1x16xf32>,
      %get3A_366 = vector.shape_cast %get3A_365 : vector<1x1x16xf32> to vector<16xf32>
      %add3A_367 = arith.addf %add3A_295, %get3A_366 : vector<16xf32>
      %add3A_368 = arith.constant 1 : i32
      %add3A_369 = arith.addi %mul3A_260, %add3A_368 : i32
      %get3A_370 = arith.constant 0 : i32
      %get3A_371 = arith.index_cast %get3A_370 : i32 to index
      %get3A_372 = arith.index_cast %add3A_369 : i32 to index
      %get3A_373 = arith.constant 64 : index
      %get3A_374 = tpu.vector_load %arg6[%get3A_371, %get3A_372, %get3A_373] {strides = array<i32>} : memref<2x200x128xf32, #tpu.memory_space<vmem>>, vector<1x1x16xf32>,
      %get3A_375 = vector.shape_cast %get3A_374 : vector<1x1x16xf32> to vector<16xf32>
      %add3A_376 = arith.addf %add3A_304, %get3A_375 : vector<16xf32>
      %add3A_377 = arith.constant 1 : i32
      %add3A_378 = arith.addi %mul3A_260, %add3A_377 : i32
      %get3A_379 = arith.constant 0 : i32
      %get3A_380 = arith.index_cast %get3A_379 : i32 to index
      %get3A_381 = arith.index_cast %add3A_378 : i32 to index
      %get3A_382 = arith.constant 80 : index
      %get3A_383 = tpu.vector_load %arg6[%get3A_380, %get3A_381, %get3A_382] {strides = array<i32>} : memref<2x200x128xf32, #tpu.memory_space<vmem>>, vector<1x1x16xf32>,
      %get3A_384 = vector.shape_cast %get3A_383 : vector<1x1x16xf32> to vector<16xf32>
      %add3A_385 = arith.addf %add3A_313, %get3A_384 : vector<16xf32>
      %add3A_386 = arith.constant 1 : i32
      %add3A_387 = arith.addi %mul3A_260, %add3A_386 : i32
      %get3A_388 = arith.constant 0 : i32
      %get3A_389 = arith.index_cast %get3A_388 : i32 to index
      %get3A_390 = arith.index_cast %add3A_387 : i32 to index
      %get3A_391 = arith.constant 96 : index
      %get3A_392 = tpu.vector_load %arg6[%get3A_389, %get3A_390, %get3A_391] {strides = array<i32>} : memref<2x200x128xf32, #tpu.memory_space<vmem>>, vector<1x1x16xf32>,
      %get3A_393 = vector.shape_cast %get3A_392 : vector<1x1x16xf32> to vector<16xf32>
      %add3A_394 = arith.addf %add3A_322, %get3A_393 : vector<16xf32>
      %add3A_395 = arith.constant 1 : i32
      %add3A_396 = arith.addi %mul3A_260, %add3A_395 : i32
      %get3A_397 = arith.constant 0 : i32
      %get3A_398 = arith.index_cast %get3A_397 : i32 to index
      %get3A_399 = arith.index_cast %add3A_396 : i32 to index
      %get3A_400 = arith.constant 112 : index
      %get3A_401 = tpu.vector_load %arg6[%get3A_398, %get3A_399, %get3A_400] {strides = array<i32>} : memref<2x200x128xf32, #tpu.memory_space<vmem>>, vector<1x1x16xf32>,
      %get3A_402 = vector.shape_cast %get3A_401 : vector<1x1x16xf32> to vector<16xf32>
      %add3A_403 = arith.addf %add3A_331, %get3A_402 : vector<16xf32>
      %add3A_404 = arith.constant 2 : i32
      %add3A_405 = arith.addi %mul3A_260, %add3A_404 : i32
      %get3A_406 = arith.constant 0 : i32
      %get3A_407 = arith.index_cast %get3A_406 : i32 to index
      %get3A_408 = arith.index_cast %add3A_405 : i32 to index
      %get3A_409 = arith.constant 0 : index
      %get3A_410 = tpu.vector_load %arg6[%get3A_407, %get3A_408, %get3A_409] {strides = array<i32>} : memref<2x200x128xf32, #tpu.memory_space<vmem>>, vector<1x1x16xf32>,
      %get3A_411 = vector.shape_cast %get3A_410 : vector<1x1x16xf32> to vector<16xf32>
      %add3A_412 = arith.addf %add3A_340, %get3A_411 : vector<16xf32>
      %add3A_413 = arith.constant 2 : i32
      %add3A_414 = arith.addi %mul3A_260, %add3A_413 : i32
      %get3A_415 = arith.constant 0 : i32
      %get3A_416 = arith.index_cast %get3A_415 : i32 to index
      %get3A_417 = arith.index_cast %add3A_414 : i32 to index
      %get3A_418 = arith.constant 16 : index
      %get3A_419 = tpu.vector_load %arg6[%get3A_416, %get3A_417, %get3A_418] {strides = array<i32>} : memref<2x200x128xf32, #tpu.memory_space<vmem>>, vector<1x1x16xf32>,
      %get3A_420 = vector.shape_cast %get3A_419 : vector<1x1x16xf32> to vector<16xf32>
      %add3A_421 = arith.addf %add3A_349, %get3A_420 : vector<16xf32>
      %add3A_422 = arith.constant 2 : i32
      %add3A_423 = arith.addi %mul3A_260, %add3A_422 : i32
      %get3A_424 = arith.constant 0 : i32
      %get3A_425 = arith.index_cast %get3A_424 : i32 to index
      %get3A_426 = arith.index_cast %add3A_423 : i32 to index
      %get3A_427 = arith.constant 32 : index
      %get3A_428 = tpu.vector_load %arg6[%get3A_425, %get3A_426, %get3A_427] {strides = array<i32>} : memref<2x200x128xf32, #tpu.memory_space<vmem>>, vector<1x1x16xf32>,
      %get3A_429 = vector.shape_cast %get3A_428 : vector<1x1x16xf32> to vector<16xf32>
      %add3A_430 = arith.addf %add3A_358, %get3A_429 : vector<16xf32>
      %add3A_431 = arith.constant 2 : i32
      %add3A_432 = arith.addi %mul3A_260, %add3A_431 : i32
      %get3A_433 = arith.constant 0 : i32
      %get3A_434 = arith.index_cast %get3A_433 : i32 to index
      %get3A_435 = arith.index_cast %add3A_432 : i32 to index
      %get3A_436 = arith.constant 48 : index
      %get3A_437 = tpu.vector_load %arg6[%get3A_434, %get3A_435, %get3A_436] {strides = array<i32>} : memref<2x200x128xf32, #tpu.memory_space<vmem>>, vector<1x1x16xf32>,
      %get3A_438 = vector.shape_cast %get3A_437 : vector<1x1x16xf32> to vector<16xf32>
      %add3A_439 = arith.addf %add3A_367, %get3A_438 : vector<16xf32>
      %add3A_440 = arith.constant 2 : i32
      %add3A_441 = arith.addi %mul3A_260, %add3A_440 : i32
      %get3A_442 = arith.constant 0 : i32
      %get3A_443 = arith.index_cast %get3A_442 : i32 to index
      %get3A_444 = arith.index_cast %add3A_441 : i32 to index
      %get3A_445 = arith.constant 64 : index
      %get3A_446 = tpu.vector_load %arg6[%get3A_443, %get3A_444, %get3A_445] {strides = array<i32>} : memref<2x200x128xf32, #tpu.memory_space<vmem>>, vector<1x1x16xf32>,
      %get3A_447 = vector.shape_cast %get3A_446 : vector<1x1x16xf32> to vector<16xf32>
      %add3A_448 = arith.addf %add3A_376, %get3A_447 : vector<16xf32>
      %add3A_449 = arith.constant 2 : i32
      %add3A_450 = arith.addi %mul3A_260, %add3A_449 : i32
      %get3A_451 = arith.constant 0 : i32
      %get3A_452 = arith.index_cast %get3A_451 : i32 to index
      %get3A_453 = arith.index_cast %add3A_450 : i32 to index
      %get3A_454 = arith.constant 80 : index
      %get3A_455 = tpu.vector_load %arg6[%get3A_452, %get3A_453, %get3A_454] {strides = array<i32>} : memref<2x200x128xf32, #tpu.memory_space<vmem>>, vector<1x1x16xf32>,
      %get3A_456 = vector.shape_cast %get3A_455 : vector<1x1x16xf32> to vector<16xf32>
      %add3A_457 = arith.addf %add3A_385, %get3A_456 : vector<16xf32>
      %add3A_458 = arith.constant 2 : i32
      %add3A_459 = arith.addi %mul3A_260, %add3A_458 : i32
      %get3A_460 = arith.constant 0 : i32
      %get3A_461 = arith.index_cast %get3A_460 : i32 to index
      %get3A_462 = arith.index_cast %add3A_459 : i32 to index
      %get3A_463 = arith.constant 96 : index
      %get3A_464 = tpu.vector_load %arg6[%get3A_461, %get3A_462, %get3A_463] {strides = array<i32>} : memref<2x200x128xf32, #tpu.memory_space<vmem>>, vector<1x1x16xf32>,
      %get3A_465 = vector.shape_cast %get3A_464 : vector<1x1x16xf32> to vector<16xf32>
      %add3A_466 = arith.addf %add3A_394, %get3A_465 : vector<16xf32>
      %add3A_467 = arith.constant 2 : i32
      %add3A_468 = arith.addi %mul3A_260, %add3A_467 : i32
      %get3A_469 = arith.constant 0 : i32
      %get3A_470 = arith.index_cast %get3A_469 : i32 to index
      %get3A_471 = arith.index_cast %add3A_468 : i32 to index
      %get3A_472 = arith.constant 112 : index
      %get3A_473 = tpu.vector_load %arg6[%get3A_470, %get3A_471, %get3A_472] {strides = array<i32>} : memref<2x200x128xf32, #tpu.memory_space<vmem>>, vector<1x1x16xf32>,
      %get3A_474 = vector.shape_cast %get3A_473 : vector<1x1x16xf32> to vector<16xf32>
      %add3A_475 = arith.addf %add3A_403, %get3A_474 : vector<16xf32>
      %add3A_476 = arith.constant 3 : i32
      %add3A_477 = arith.addi %mul3A_260, %add3A_476 : i32
      %get3A_478 = arith.constant 0 : i32
      %get3A_479 = arith.index_cast %get3A_478 : i32 to index
      %get3A_480 = arith.index_cast %add3A_477 : i32 to index
      %get3A_481 = arith.constant 0 : index
      %get3A_482 = tpu.vector_load %arg6[%get3A_479, %get3A_480, %get3A_481] {strides = array<i32>} : memref<2x200x128xf32, #tpu.memory_space<vmem>>, vector<1x1x16xf32>,
      %get3A_483 = vector.shape_cast %get3A_482 : vector<1x1x16xf32> to vector<16xf32>
      %add3A_484 = arith.addf %add3A_412, %get3A_483 : vector<16xf32>
      %add3A_485 = arith.constant 3 : i32
      %add3A_486 = arith.addi %mul3A_260, %add3A_485 : i32
      %get3A_487 = arith.constant 0 : i32
      %get3A_488 = arith.index_cast %get3A_487 : i32 to index
      %get3A_489 = arith.index_cast %add3A_486 : i32 to index
      %get3A_490 = arith.constant 16 : index
      %get3A_491 = tpu.vector_load %arg6[%get3A_488, %get3A_489, %get3A_490] {strides = array<i32>} : memref<2x200x128xf32, #tpu.memory_space<vmem>>, vector<1x1x16xf32>,
      %get3A_492 = vector.shape_cast %get3A_491 : vector<1x1x16xf32> to vector<16xf32>
      %add3A_493 = arith.addf %add3A_421, %get3A_492 : vector<16xf32>
      %add3A_494 = arith.constant 3 : i32
      %add3A_495 = arith.addi %mul3A_260, %add3A_494 : i32
      %get3A_496 = arith.constant 0 : i32
      %get3A_497 = arith.index_cast %get3A_496 : i32 to index
      %get3A_498 = arith.index_cast %add3A_495 : i32 to index
      %get3A_499 = arith.constant 32 : index
      %get3A_500 = tpu.vector_load %arg6[%get3A_497, %get3A_498, %get3A_499] {strides = array<i32>} : memref<2x200x128xf32, #tpu.memory_space<vmem>>, vector<1x1x16xf32>,
      %get3A_501 = vector.shape_cast %get3A_500 : vector<1x1x16xf32> to vector<16xf32>
      %add3A_502 = arith.addf %add3A_430, %get3A_501 : vector<16xf32>
      %add3A_503 = arith.constant 3 : i32
      %add3A_504 = arith.addi %mul3A_260, %add3A_503 : i32
      %get3A_505 = arith.constant 0 : i32
      %get3A_506 = arith.index_cast %get3A_505 : i32 to index
      %get3A_507 = arith.index_cast %add3A_504 : i32 to index
      %get3A_508 = arith.constant 48 : index
      %get3A_509 = tpu.vector_load %arg6[%get3A_506, %get3A_507, %get3A_508] {strides = array<i32>} : memref<2x200x128xf32, #tpu.memory_space<vmem>>, vector<1x1x16xf32>,
      %get3A_510 = vector.shape_cast %get3A_509 : vector<1x1x16xf32> to vector<16xf32>
      %add3A_511 = arith.addf %add3A_439, %get3A_510 : vector<16xf32>
      %add3A_512 = arith.constant 3 : i32
      %add3A_513 = arith.addi %mul3A_260, %add3A_512 : i32
      %get3A_514 = arith.constant 0 : i32
      %get3A_515 = arith.index_cast %get3A_514 : i32 to index
      %get3A_516 = arith.index_cast %add3A_513 : i32 to index
      %get3A_517 = arith.constant 64 : index
      %get3A_518 = tpu.vector_load %arg6[%get3A_515, %get3A_516, %get3A_517] {strides = array<i32>} : memref<2x200x128xf32, #tpu.memory_space<vmem>>, vector<1x1x16xf32>,
      %get3A_519 = vector.shape_cast %get3A_518 : vector<1x1x16xf32> to vector<16xf32>
      %add3A_520 = arith.addf %add3A_448, %get3A_519 : vector<16xf32>
      %add3A_521 = arith.constant 3 : i32
      %add3A_522 = arith.addi %mul3A_260, %add3A_521 : i32
      %get3A_523 = arith.constant 0 : i32
      %get3A_524 = arith.index_cast %get3A_523 : i32 to index
      %get3A_525 = arith.index_cast %add3A_522 : i32 to index
      %get3A_526 = arith.constant 80 : index
      %get3A_527 = tpu.vector_load %arg6[%get3A_524, %get3A_525, %get3A_526] {strides = array<i32>} : memref<2x200x128xf32, #tpu.memory_space<vmem>>, vector<1x1x16xf32>,
      %get3A_528 = vector.shape_cast %get3A_527 : vector<1x1x16xf32> to vector<16xf32>
      %add3A_529 = arith.addf %add3A_457, %get3A_528 : vector<16xf32>
      %add3A_530 = arith.constant 3 : i32
      %add3A_531 = arith.addi %mul3A_260, %add3A_530 : i32
      %get3A_532 = arith.constant 0 : i32
      %get3A_533 = arith.index_cast %get3A_532 : i32 to index
      %get3A_534 = arith.index_cast %add3A_531 : i32 to index
      %get3A_535 = arith.constant 96 : index
      %get3A_536 = tpu.vector_load %arg6[%get3A_533, %get3A_534, %get3A_535] {strides = array<i32>} : memref<2x200x128xf32, #tpu.memory_space<vmem>>, vector<1x1x16xf32>,
      %get3A_537 = vector.shape_cast %get3A_536 : vector<1x1x16xf32> to vector<16xf32>
      %add3A_538 = arith.addf %add3A_466, %get3A_537 : vector<16xf32>
      %add3A_539 = arith.constant 3 : i32
      %add3A_540 = arith.addi %mul3A_260, %add3A_539 : i32
      %get3A_541 = arith.constant 0 : i32
      %get3A_542 = arith.index_cast %get3A_541 : i32 to index
      %get3A_543 = arith.index_cast %add3A_540 : i32 to index
      %get3A_544 = arith.constant 112 : index
      %get3A_545 = tpu.vector_load %arg6[%get3A_542, %get3A_543, %get3A_544] {strides = array<i32>} : memref<2x200x128xf32, #tpu.memory_space<vmem>>, vector<1x1x16xf32>,
      %get3A_546 = vector.shape_cast %get3A_545 : vector<1x1x16xf32> to vector<16xf32>
      %add3A_547 = arith.addf %add3A_475, %get3A_546 : vector<16xf32>
      scf.yield %add3A_484, %add3A_493, %add3A_502, %add3A_511, %add3A_520, %add3A_529, %add3A_538, %add3A_547 : vector<16xf32>, vector<16xf32>, vector<16xf32>, vector<16xf32>, vector<16xf32>, vector<16xf32>, vector<16xf32>, vector<16xf32>
    }
    %scan3A_104 = arith.constant 50 : i32
    %swap3A = arith.constant 126 : i32
    %swap3A_105 = arith.index_cast %swap3A : i32 to index
    %swap3A_106 = arith.constant 0 : index
    %swap3A_107 = tpu.vector_load %arg7[%swap3A_105, %swap3A_106] {strides = array<i32>} : memref<128x128xf32, #tpu.memory_space<vmem>>, vector<1x16xf32>,
    %swap3A_108 = vector.shape_cast %swap3A_107 : vector<1x16xf32> to vector<16xf32>
    %swap3A_109 = vector.shape_cast %scan3A_103#0 : vector<16xf32> to vector<1x16xf32>
    tpu.vector_store %arg7[%swap3A_105, %swap3A_106], %swap3A_109 {strides = array<i32>} : memref<128x128xf32, #tpu.memory_space<vmem>>, vector<1x16xf32>,
    %swap3A_110 = arith.constant 126 : i32
    %swap3A_111 = arith.index_cast %swap3A_110 : i32 to index
    %swap3A_112 = arith.constant 16 : index
    %swap3A_113 = tpu.vector_load %arg7[%swap3A_111, %swap3A_112] {strides = array<i32>} : memref<128x128xf32, #tpu.memory_space<vmem>>, vector<1x16xf32>,
    %swap3A_114 = vector.shape_cast %swap3A_113 : vector<1x16xf32> to vector<16xf32>
    %swap3A_115 = vector.shape_cast %scan3A_103#1 : vector<16xf32> to vector<1x16xf32>
    tpu.vector_store %arg7[%swap3A_111, %swap3A_112], %swap3A_115 {strides = array<i32>} : memref<128x128xf32, #tpu.memory_space<vmem>>, vector<1x16xf32>,
    %swap3A_116 = arith.constant 126 : i32
    %swap3A_117 = arith.index_cast %swap3A_116 : i32 to index
    %swap3A_118 = arith.constant 32 : index
    %swap3A_119 = tpu.vector_load %arg7[%swap3A_117, %swap3A_118] {strides = array<i32>} : memref<128x128xf32, #tpu.memory_space<vmem>>, vector<1x16xf32>,
    %swap3A_120 = vector.shape_cast %swap3A_119 : vector<1x16xf32> to vector<16xf32>
    %swap3A_121 = vector.shape_cast %scan3A_103#2 : vector<16xf32> to vector<1x16xf32>
    tpu.vector_store %arg7[%swap3A_117, %swap3A_118], %swap3A_121 {strides = array<i32>} : memref<128x128xf32, #tpu.memory_space<vmem>>, vector<1x16xf32>,
    %swap3A_122 = arith.constant 126 : i32
    %swap3A_123 = arith.index_cast %swap3A_122 : i32 to index
    %swap3A_124 = arith.constant 48 : index
    %swap3A_125 = tpu.vector_load %arg7[%swap3A_123, %swap3A_124] {strides = array<i32>} : memref<128x128xf32, #tpu.memory_space<vmem>>, vector<1x16xf32>,
    %swap3A_126 = vector.shape_cast %swap3A_125 : vector<1x16xf32> to vector<16xf32>
    %swap3A_127 = vector.shape_cast %scan3A_103#3 : vector<16xf32> to vector<1x16xf32>
    tpu.vector_store %arg7[%swap3A_123, %swap3A_124], %swap3A_127 {strides = array<i32>} : memref<128x128xf32, #tpu.memory_space<vmem>>, vector<1x16xf32>,
    %swap3A_128 = arith.constant 126 : i32
    %swap3A_129 = arith.index_cast %swap3A_128 : i32 to index
    %swap3A_130 = arith.constant 64 : index
    %swap3A_131 = tpu.vector_load %arg7[%swap3A_129, %swap3A_130] {strides = array<i32>} : memref<128x128xf32, #tpu.memory_space<vmem>>, vector<1x16xf32>,
    %swap3A_132 = vector.shape_cast %swap3A_131 : vector<1x16xf32> to vector<16xf32>
    %swap3A_133 = vector.shape_cast %scan3A_103#4 : vector<16xf32> to vector<1x16xf32>
    tpu.vector_store %arg7[%swap3A_129, %swap3A_130], %swap3A_133 {strides = array<i32>} : memref<128x128xf32, #tpu.memory_space<vmem>>, vector<1x16xf32>,
    %swap3A_134 = arith.constant 126 : i32
    %swap3A_135 = arith.index_cast %swap3A_134 : i32 to index
    %swap3A_136 = arith.constant 80 : index
    %swap3A_137 = tpu.vector_load %arg7[%swap3A_135, %swap3A_136] {strides = array<i32>} : memref<128x128xf32, #tpu.memory_space<vmem>>, vector<1x16xf32>,
    %swap3A_138 = vector.shape_cast %swap3A_137 : vector<1x16xf32> to vector<16xf32>
    %swap3A_139 = vector.shape_cast %scan3A_103#5 : vector<16xf32> to vector<1x16xf32>
    tpu.vector_store %arg7[%swap3A_135, %swap3A_136], %swap3A_139 {strides = array<i32>} : memref<128x128xf32, #tpu.memory_space<vmem>>, vector<1x16xf32>,
    %swap3A_140 = arith.constant 126 : i32
    %swap3A_141 = arith.index_cast %swap3A_140 : i32 to index
    %swap3A_142 = arith.constant 96 : index
    %swap3A_143 = tpu.vector_load %arg7[%swap3A_141, %swap3A_142] {strides = array<i32>} : memref<128x128xf32, #tpu.memory_space<vmem>>, vector<1x16xf32>,
    %swap3A_144 = vector.shape_cast %swap3A_143 : vector<1x16xf32> to vector<16xf32>
    %swap3A_145 = vector.shape_cast %scan3A_103#6 : vector<16xf32> to vector<1x16xf32>
    tpu.vector_store %arg7[%swap3A_141, %swap3A_142], %swap3A_145 {strides = array<i32>} : memref<128x128xf32, #tpu.memory_space<vmem>>, vector<1x16xf32>,
    %swap3A_146 = arith.constant 126 : i32
    %swap3A_147 = arith.index_cast %swap3A_146 : i32 to index
    %swap3A_148 = arith.constant 112 : index
    %swap3A_149 = tpu.vector_load %arg7[%swap3A_147, %swap3A_148] {strides = array<i32>} : memref<128x128xf32, #tpu.memory_space<vmem>>, vector<1x16xf32>,
    %swap3A_150 = vector.shape_cast %swap3A_149 : vector<1x16xf32> to vector<16xf32>
    %swap3A_151 = vector.shape_cast %scan3A_103#7 : vector<16xf32> to vector<1x16xf32>
    tpu.vector_store %arg7[%swap3A_147, %swap3A_148], %swap3A_151 {strides = array<i32>} : memref<128x128xf32, #tpu.memory_space<vmem>>, vector<1x16xf32>,
    %dma_wait3A_152 = arith.constant 1 : i32
    %dma_wait3A_153 = arith.constant 0 : i32
    %dma_wait3A_154 = arith.constant 0 : i32
    %dma_wait3A_155 = tpu.memref_slice %arg6[%dma_wait3A_152, %dma_wait3A_153, %dma_wait3A_154] : memref<2x200x128xf32, #tpu.memory_space<vmem>> -> memref<1x200x128xf32, #tpu.memory_space<vmem>>
    %dma_wait3A_156 = tpu.memref_squeeze %dma_wait3A_155 : memref<1x200x128xf32, #tpu.memory_space<vmem>> -> memref<200x128xf32, #tpu.memory_space<vmem>>
    %dma_wait3A_157 = arith.constant 0 : i32
    %dma_wait3A_158 = arith.constant 0 : i32
    %dma_wait3A_159 = tpu.memref_slice %dma_wait3A_156[%dma_wait3A_157, %dma_wait3A_158] : memref<200x128xf32, #tpu.memory_space<vmem>> -> memref<128x128xf32, #tpu.memory_space<vmem>>
    %dma_wait3A_160 = arith.constant 0 : i32
    %dma_wait3A_161 = tpu.memref_slice %arg5[%dma_wait3A_160] : memref<25600xi32, #tpu.memory_space<vmem>> -> memref<128xi32, #tpu.memory_space<vmem>>
    %dma_wait3A_162 = arith.constant 0 : i32
    %dma_wait3A_163 = arith.constant 0 : i32
    %dma_wait3A_164 = tpu.memref_slice %arg3[%dma_wait3A_162, %dma_wait3A_163] : memref<100000x128xf32, #tpu.memory_space<hbm>> -> memref<100000x128xf32, #tpu.memory_space<hbm>>
    tpu.wait_indirect_dma semaphore(%arg9 : memref<!tpu.dma_semaphore, #tpu.memory_space<semaphore_mem>>) src(%dma_wait3A_164 : memref<100000x128xf32, #tpu.memory_space<hbm>>) dst(%dma_wait3A_159 : memref<128x128xf32, #tpu.memory_space<vmem>>)
    %dma_wait3A_165 = arith.constant 1 : i32
    %dma_wait3A_166 = arith.constant 0 : i32
    %dma_wait3A_167 = arith.constant 0 : i32
    %dma_wait3A_168 = tpu.memref_slice %arg6[%dma_wait3A_165, %dma_wait3A_166, %dma_wait3A_167] : memref<2x200x128xf32, #tpu.memory_space<vmem>> -> memref<1x200x128xf32, #tpu.memory_space<vmem>>
    %dma_wait3A_169 = tpu.memref_squeeze %dma_wait3A_168 : memref<1x200x128xf32, #tpu.memory_space<vmem>> -> memref<200x128xf32, #tpu.memory_space<vmem>>
    %dma_wait3A_170 = arith.constant 128 : i32
    %dma_wait3A_171 = arith.constant 0 : i32
    %dma_wait3A_172 = tpu.memref_slice %dma_wait3A_169[%dma_wait3A_170, %dma_wait3A_171] : memref<200x128xf32, #tpu.memory_space<vmem>> -> memref<72x128xf32, #tpu.memory_space<vmem>>
    %dma_wait3A_173 = arith.constant 0 : i32
    %dma_wait3A_174 = tpu.memref_slice %arg5[%dma_wait3A_173] : memref<25600xi32, #tpu.memory_space<vmem>> -> memref<72xi32, #tpu.memory_space<vmem>>
    %dma_wait3A_175 = arith.constant 0 : i32
    %dma_wait3A_176 = arith.constant 0 : i32
    %dma_wait3A_177 = tpu.memref_slice %arg3[%dma_wait3A_175, %dma_wait3A_176] : memref<100000x128xf32, #tpu.memory_space<hbm>> -> memref<100000x128xf32, #tpu.memory_space<hbm>>
    tpu.wait_indirect_dma semaphore(%arg9 : memref<!tpu.dma_semaphore, #tpu.memory_space<semaphore_mem>>) src(%dma_wait3A_177 : memref<100000x128xf32, #tpu.memory_space<hbm>>) dst(%dma_wait3A_172 : memref<72x128xf32, #tpu.memory_space<vmem>>)
    %broadcast_in_dim3A_178 = arith.constant 0.000000e+00 : f32
    %broadcast_in_dim3A_179 = vector.broadcast %broadcast_in_dim3A_178 : f32 to vector<16xf32>
    %broadcast_in_dim3A_180 = arith.constant 0.000000e+00 : f32
    %broadcast_in_dim3A_181 = vector.broadcast %broadcast_in_dim3A_180 : f32 to vector<16xf32>
    %broadcast_in_dim3A_182 = arith.constant 0.000000e+00 : f32
    %broadcast_in_dim3A_183 = vector.broadcast %broadcast_in_dim3A_182 : f32 to vector<16xf32>
    %broadcast_in_dim3A_184 = arith.constant 0.000000e+00 : f32
    %broadcast_in_dim3A_185 = vector.broadcast %broadcast_in_dim3A_184 : f32 to vector<16xf32>
    %broadcast_in_dim3A_186 = arith.constant 0.000000e+00 : f32
    %broadcast_in_dim3A_187 = vector.broadcast %broadcast_in_dim3A_186 : f32 to vector<16xf32>
    %broadcast_in_dim3A_188 = arith.constant 0.000000e+00 : f32
    %broadcast_in_dim3A_189 = vector.broadcast %broadcast_in_dim3A_188 : f32 to vector<16xf32>
    %broadcast_in_dim3A_190 = arith.constant 0.000000e+00 : f32
    %broadcast_in_dim3A_191 = vector.broadcast %broadcast_in_dim3A_190 : f32 to vector<16xf32>
    %broadcast_in_dim3A_192 = arith.constant 0.000000e+00 : f32
    %broadcast_in_dim3A_193 = vector.broadcast %broadcast_in_dim3A_192 : f32 to vector<16xf32>
    %scan3A_194 = arith.constant 0 : i32
    %scan3A_195 = arith.constant 50 : i32
    %scan3A_196 = arith.addi %scan3A_194, %scan3A_195 : i32
    %scan3A_197 = arith.constant 1 : i32
    %scan3A_198:8 = scf.for %scan3A_250 = %scan3A_194 to %scan3A_196 step %scan3A_197 iter_args(%scan3A_251 = %broadcast_in_dim3A_179, %scan3A_252 = %broadcast_in_dim3A_181, %scan3A_253 = %broadcast_in_dim3A_183, %scan3A_254 = %broadcast_in_dim3A_185, %scan3A_255 = %broadcast_in_dim3A_187, %scan3A_256 = %broadcast_in_dim3A_189, %scan3A_257 = %broadcast_in_dim3A_191, %scan3A_258 = %broadcast_in_dim3A_193) -> (vector<16xf32>, vector<16xf32>, vector<16xf32>, vector<16xf32>, vector<16xf32>, vector<16xf32>, vector<16xf32>, vector<16xf32>)  : i32 {
      %mul3A_259 = arith.constant 4 : i32
      %mul3A_260 = arith.muli %scan3A_250, %mul3A_259 : i32
      %add3A_261 = arith.constant 0 : i32
      %add3A_262 = arith.addi %mul3A_260, %add3A_261 : i32
      %get3A = arith.constant 1 : i32
      %get3A_263 = arith.index_cast %get3A : i32 to index
      %get3A_264 = arith.index_cast %add3A_262 : i32 to index
      %get3A_265 = arith.constant 0 : index
      %get3A_266 = tpu.vector_load %arg6[%get3A_263, %get3A_264, %get3A_265] {strides = array<i32>} : memref<2x200x128xf32, #tpu.memory_space<vmem>>, vector<1x1x16xf32>,
      %get3A_267 = vector.shape_cast %get3A_266 : vector<1x1x16xf32> to vector<16xf32>
      %add3A_268 = arith.addf %scan3A_251, %get3A_267 : vector<16xf32>
      %add3A_269 = arith.constant 0 : i32
      %add3A_270 = arith.addi %mul3A_260, %add3A_269 : i32
      %get3A_271 = arith.constant 1 : i32
      %get3A_272 = arith.index_cast %get3A_271 : i32 to index
      %get3A_273 = arith.index_cast %add3A_270 : i32 to index
      %get3A_274 = arith.constant 16 : index
      %get3A_275 = tpu.vector_load %arg6[%get3A_272, %get3A_273, %get3A_274] {strides = array<i32>} : memref<2x200x128xf32, #tpu.memory_space<vmem>>, vector<1x1x16xf32>,
      %get3A_276 = vector.shape_cast %get3A_275 : vector<1x1x16xf32> to vector<16xf32>
      %add3A_277 = arith.addf %scan3A_252, %get3A_276 : vector<16xf32>
      %add3A_278 = arith.constant 0 : i32
      %add3A_279 = arith.addi %mul3A_260, %add3A_278 : i32
      %get3A_280 = arith.constant 1 : i32
      %get3A_281 = arith.index_cast %get3A_280 : i32 to index
      %get3A_282 = arith.index_cast %add3A_279 : i32 to index
      %get3A_283 = arith.constant 32 : index
      %get3A_284 = tpu.vector_load %arg6[%get3A_281, %get3A_282, %get3A_283] {strides = array<i32>} : memref<2x200x128xf32, #tpu.memory_space<vmem>>, vector<1x1x16xf32>,
      %get3A_285 = vector.shape_cast %get3A_284 : vector<1x1x16xf32> to vector<16xf32>
      %add3A_286 = arith.addf %scan3A_253, %get3A_285 : vector<16xf32>
      %add3A_287 = arith.constant 0 : i32
      %add3A_288 = arith.addi %mul3A_260, %add3A_287 : i32
      %get3A_289 = arith.constant 1 : i32
      %get3A_290 = arith.index_cast %get3A_289 : i32 to index
      %get3A_291 = arith.index_cast %add3A_288 : i32 to index
      %get3A_292 = arith.constant 48 : index
      %get3A_293 = tpu.vector_load %arg6[%get3A_290, %get3A_291, %get3A_292] {strides = array<i32>} : memref<2x200x128xf32, #tpu.memory_space<vmem>>, vector<1x1x16xf32>,
      %get3A_294 = vector.shape_cast %get3A_293 : vector<1x1x16xf32> to vector<16xf32>
      %add3A_295 = arith.addf %scan3A_254, %get3A_294 : vector<16xf32>
      %add3A_296 = arith.constant 0 : i32
      %add3A_297 = arith.addi %mul3A_260, %add3A_296 : i32
      %get3A_298 = arith.constant 1 : i32
      %get3A_299 = arith.index_cast %get3A_298 : i32 to index
      %get3A_300 = arith.index_cast %add3A_297 : i32 to index
      %get3A_301 = arith.constant 64 : index
      %get3A_302 = tpu.vector_load %arg6[%get3A_299, %get3A_300, %get3A_301] {strides = array<i32>} : memref<2x200x128xf32, #tpu.memory_space<vmem>>, vector<1x1x16xf32>,
      %get3A_303 = vector.shape_cast %get3A_302 : vector<1x1x16xf32> to vector<16xf32>
      %add3A_304 = arith.addf %scan3A_255, %get3A_303 : vector<16xf32>
      %add3A_305 = arith.constant 0 : i32
      %add3A_306 = arith.addi %mul3A_260, %add3A_305 : i32
      %get3A_307 = arith.constant 1 : i32
      %get3A_308 = arith.index_cast %get3A_307 : i32 to index
      %get3A_309 = arith.index_cast %add3A_306 : i32 to index
      %get3A_310 = arith.constant 80 : index
      %get3A_311 = tpu.vector_load %arg6[%get3A_308, %get3A_309, %get3A_310] {strides = array<i32>} : memref<2x200x128xf32, #tpu.memory_space<vmem>>, vector<1x1x16xf32>,
      %get3A_312 = vector.shape_cast %get3A_311 : vector<1x1x16xf32> to vector<16xf32>
      %add3A_313 = arith.addf %scan3A_256, %get3A_312 : vector<16xf32>
      %add3A_314 = arith.constant 0 : i32
      %add3A_315 = arith.addi %mul3A_260, %add3A_314 : i32
      %get3A_316 = arith.constant 1 : i32
      %get3A_317 = arith.index_cast %get3A_316 : i32 to index
      %get3A_318 = arith.index_cast %add3A_315 : i32 to index
      %get3A_319 = arith.constant 96 : index
      %get3A_320 = tpu.vector_load %arg6[%get3A_317, %get3A_318, %get3A_319] {strides = array<i32>} : memref<2x200x128xf32, #tpu.memory_space<vmem>>, vector<1x1x16xf32>,
      %get3A_321 = vector.shape_cast %get3A_320 : vector<1x1x16xf32> to vector<16xf32>
      %add3A_322 = arith.addf %scan3A_257, %get3A_321 : vector<16xf32>
      %add3A_323 = arith.constant 0 : i32
      %add3A_324 = arith.addi %mul3A_260, %add3A_323 : i32
      %get3A_325 = arith.constant 1 : i32
      %get3A_326 = arith.index_cast %get3A_325 : i32 to index
      %get3A_327 = arith.index_cast %add3A_324 : i32 to index
      %get3A_328 = arith.constant 112 : index
      %get3A_329 = tpu.vector_load %arg6[%get3A_326, %get3A_327, %get3A_328] {strides = array<i32>} : memref<2x200x128xf32, #tpu.memory_space<vmem>>, vector<1x1x16xf32>,
      %get3A_330 = vector.shape_cast %get3A_329 : vector<1x1x16xf32> to vector<16xf32>
      %add3A_331 = arith.addf %scan3A_258, %get3A_330 : vector<16xf32>
      %add3A_332 = arith.constant 1 : i32
      %add3A_333 = arith.addi %mul3A_260, %add3A_332 : i32
      %get3A_334 = arith.constant 1 : i32
      %get3A_335 = arith.index_cast %get3A_334 : i32 to index
      %get3A_336 = arith.index_cast %add3A_333 : i32 to index
      %get3A_337 = arith.constant 0 : index
      %get3A_338 = tpu.vector_load %arg6[%get3A_335, %get3A_336, %get3A_337] {strides = array<i32>} : memref<2x200x128xf32, #tpu.memory_space<vmem>>, vector<1x1x16xf32>,
      %get3A_339 = vector.shape_cast %get3A_338 : vector<1x1x16xf32> to vector<16xf32>
      %add3A_340 = arith.addf %add3A_268, %get3A_339 : vector<16xf32>
      %add3A_341 = arith.constant 1 : i32
      %add3A_342 = arith.addi %mul3A_260, %add3A_341 : i32
      %get3A_343 = arith.constant 1 : i32
      %get3A_344 = arith.index_cast %get3A_343 : i32 to index
      %get3A_345 = arith.index_cast %add3A_342 : i32 to index
      %get3A_346 = arith.constant 16 : index
      %get3A_347 = tpu.vector_load %arg6[%get3A_344, %get3A_345, %get3A_346] {strides = array<i32>} : memref<2x200x128xf32, #tpu.memory_space<vmem>>, vector<1x1x16xf32>,
      %get3A_348 = vector.shape_cast %get3A_347 : vector<1x1x16xf32> to vector<16xf32>
      %add3A_349 = arith.addf %add3A_277, %get3A_348 : vector<16xf32>
      %add3A_350 = arith.constant 1 : i32
      %add3A_351 = arith.addi %mul3A_260, %add3A_350 : i32
      %get3A_352 = arith.constant 1 : i32
      %get3A_353 = arith.index_cast %get3A_352 : i32 to index
      %get3A_354 = arith.index_cast %add3A_351 : i32 to index
      %get3A_355 = arith.constant 32 : index
      %get3A_356 = tpu.vector_load %arg6[%get3A_353, %get3A_354, %get3A_355] {strides = array<i32>} : memref<2x200x128xf32, #tpu.memory_space<vmem>>, vector<1x1x16xf32>,
      %get3A_357 = vector.shape_cast %get3A_356 : vector<1x1x16xf32> to vector<16xf32>
      %add3A_358 = arith.addf %add3A_286, %get3A_357 : vector<16xf32>
      %add3A_359 = arith.constant 1 : i32
      %add3A_360 = arith.addi %mul3A_260, %add3A_359 : i32
      %get3A_361 = arith.constant 1 : i32
      %get3A_362 = arith.index_cast %get3A_361 : i32 to index
      %get3A_363 = arith.index_cast %add3A_360 : i32 to index
      %get3A_364 = arith.constant 48 : index
      %get3A_365 = tpu.vector_load %arg6[%get3A_362, %get3A_363, %get3A_364] {strides = array<i32>} : memref<2x200x128xf32, #tpu.memory_space<vmem>>, vector<1x1x16xf32>,
      %get3A_366 = vector.shape_cast %get3A_365 : vector<1x1x16xf32> to vector<16xf32>
      %add3A_367 = arith.addf %add3A_295, %get3A_366 : vector<16xf32>
      %add3A_368 = arith.constant 1 : i32
      %add3A_369 = arith.addi %mul3A_260, %add3A_368 : i32
      %get3A_370 = arith.constant 1 : i32
      %get3A_371 = arith.index_cast %get3A_370 : i32 to index
      %get3A_372 = arith.index_cast %add3A_369 : i32 to index
      %get3A_373 = arith.constant 64 : index
      %get3A_374 = tpu.vector_load %arg6[%get3A_371, %get3A_372, %get3A_373] {strides = array<i32>} : memref<2x200x128xf32, #tpu.memory_space<vmem>>, vector<1x1x16xf32>,
      %get3A_375 = vector.shape_cast %get3A_374 : vector<1x1x16xf32> to vector<16xf32>
      %add3A_376 = arith.addf %add3A_304, %get3A_375 : vector<16xf32>
      %add3A_377 = arith.constant 1 : i32
      %add3A_378 = arith.addi %mul3A_260, %add3A_377 : i32
      %get3A_379 = arith.constant 1 : i32
      %get3A_380 = arith.index_cast %get3A_379 : i32 to index
      %get3A_381 = arith.index_cast %add3A_378 : i32 to index
      %get3A_382 = arith.constant 80 : index
      %get3A_383 = tpu.vector_load %arg6[%get3A_380, %get3A_381, %get3A_382] {strides = array<i32>} : memref<2x200x128xf32, #tpu.memory_space<vmem>>, vector<1x1x16xf32>,
      %get3A_384 = vector.shape_cast %get3A_383 : vector<1x1x16xf32> to vector<16xf32>
      %add3A_385 = arith.addf %add3A_313, %get3A_384 : vector<16xf32>
      %add3A_386 = arith.constant 1 : i32
      %add3A_387 = arith.addi %mul3A_260, %add3A_386 : i32
      %get3A_388 = arith.constant 1 : i32
      %get3A_389 = arith.index_cast %get3A_388 : i32 to index
      %get3A_390 = arith.index_cast %add3A_387 : i32 to index
      %get3A_391 = arith.constant 96 : index
      %get3A_392 = tpu.vector_load %arg6[%get3A_389, %get3A_390, %get3A_391] {strides = array<i32>} : memref<2x200x128xf32, #tpu.memory_space<vmem>>, vector<1x1x16xf32>,
      %get3A_393 = vector.shape_cast %get3A_392 : vector<1x1x16xf32> to vector<16xf32>
      %add3A_394 = arith.addf %add3A_322, %get3A_393 : vector<16xf32>
      %add3A_395 = arith.constant 1 : i32
      %add3A_396 = arith.addi %mul3A_260, %add3A_395 : i32
      %get3A_397 = arith.constant 1 : i32
      %get3A_398 = arith.index_cast %get3A_397 : i32 to index
      %get3A_399 = arith.index_cast %add3A_396 : i32 to index
      %get3A_400 = arith.constant 112 : index
      %get3A_401 = tpu.vector_load %arg6[%get3A_398, %get3A_399, %get3A_400] {strides = array<i32>} : memref<2x200x128xf32, #tpu.memory_space<vmem>>, vector<1x1x16xf32>,
      %get3A_402 = vector.shape_cast %get3A_401 : vector<1x1x16xf32> to vector<16xf32>
      %add3A_403 = arith.addf %add3A_331, %get3A_402 : vector<16xf32>
      %add3A_404 = arith.constant 2 : i32
      %add3A_405 = arith.addi %mul3A_260, %add3A_404 : i32
      %get3A_406 = arith.constant 1 : i32
      %get3A_407 = arith.index_cast %get3A_406 : i32 to index
      %get3A_408 = arith.index_cast %add3A_405 : i32 to index
      %get3A_409 = arith.constant 0 : index
      %get3A_410 = tpu.vector_load %arg6[%get3A_407, %get3A_408, %get3A_409] {strides = array<i32>} : memref<2x200x128xf32, #tpu.memory_space<vmem>>, vector<1x1x16xf32>,
      %get3A_411 = vector.shape_cast %get3A_410 : vector<1x1x16xf32> to vector<16xf32>
      %add3A_412 = arith.addf %add3A_340, %get3A_411 : vector<16xf32>
      %add3A_413 = arith.constant 2 : i32
      %add3A_414 = arith.addi %mul3A_260, %add3A_413 : i32
      %get3A_415 = arith.constant 1 : i32
      %get3A_416 = arith.index_cast %get3A_415 : i32 to index
      %get3A_417 = arith.index_cast %add3A_414 : i32 to index
      %get3A_418 = arith.constant 16 : index
      %get3A_419 = tpu.vector_load %arg6[%get3A_416, %get3A_417, %get3A_418] {strides = array<i32>} : memref<2x200x128xf32, #tpu.memory_space<vmem>>, vector<1x1x16xf32>,
      %get3A_420 = vector.shape_cast %get3A_419 : vector<1x1x16xf32> to vector<16xf32>
      %add3A_421 = arith.addf %add3A_349, %get3A_420 : vector<16xf32>
      %add3A_422 = arith.constant 2 : i32
      %add3A_423 = arith.addi %mul3A_260, %add3A_422 : i32
      %get3A_424 = arith.constant 1 : i32
      %get3A_425 = arith.index_cast %get3A_424 : i32 to index
      %get3A_426 = arith.index_cast %add3A_423 : i32 to index
      %get3A_427 = arith.constant 32 : index
      %get3A_428 = tpu.vector_load %arg6[%get3A_425, %get3A_426, %get3A_427] {strides = array<i32>} : memref<2x200x128xf32, #tpu.memory_space<vmem>>, vector<1x1x16xf32>,
      %get3A_429 = vector.shape_cast %get3A_428 : vector<1x1x16xf32> to vector<16xf32>
      %add3A_430 = arith.addf %add3A_358, %get3A_429 : vector<16xf32>
      %add3A_431 = arith.constant 2 : i32
      %add3A_432 = arith.addi %mul3A_260, %add3A_431 : i32
      %get3A_433 = arith.constant 1 : i32
      %get3A_434 = arith.index_cast %get3A_433 : i32 to index
      %get3A_435 = arith.index_cast %add3A_432 : i32 to index
      %get3A_436 = arith.constant 48 : index
      %get3A_437 = tpu.vector_load %arg6[%get3A_434, %get3A_435, %get3A_436] {strides = array<i32>} : memref<2x200x128xf32, #tpu.memory_space<vmem>>, vector<1x1x16xf32>,
      %get3A_438 = vector.shape_cast %get3A_437 : vector<1x1x16xf32> to vector<16xf32>
      %add3A_439 = arith.addf %add3A_367, %get3A_438 : vector<16xf32>
      %add3A_440 = arith.constant 2 : i32
      %add3A_441 = arith.addi %mul3A_260, %add3A_440 : i32
      %get3A_442 = arith.constant 1 : i32
      %get3A_443 = arith.index_cast %get3A_442 : i32 to index
      %get3A_444 = arith.index_cast %add3A_441 : i32 to index
      %get3A_445 = arith.constant 64 : index
      %get3A_446 = tpu.vector_load %arg6[%get3A_443, %get3A_444, %get3A_445] {strides = array<i32>} : memref<2x200x128xf32, #tpu.memory_space<vmem>>, vector<1x1x16xf32>,
      %get3A_447 = vector.shape_cast %get3A_446 : vector<1x1x16xf32> to vector<16xf32>
      %add3A_448 = arith.addf %add3A_376, %get3A_447 : vector<16xf32>
      %add3A_449 = arith.constant 2 : i32
      %add3A_450 = arith.addi %mul3A_260, %add3A_449 : i32
      %get3A_451 = arith.constant 1 : i32
      %get3A_452 = arith.index_cast %get3A_451 : i32 to index
      %get3A_453 = arith.index_cast %add3A_450 : i32 to index
      %get3A_454 = arith.constant 80 : index
      %get3A_455 = tpu.vector_load %arg6[%get3A_452, %get3A_453, %get3A_454] {strides = array<i32>} : memref<2x200x128xf32, #tpu.memory_space<vmem>>, vector<1x1x16xf32>,
      %get3A_456 = vector.shape_cast %get3A_455 : vector<1x1x16xf32> to vector<16xf32>
      %add3A_457 = arith.addf %add3A_385, %get3A_456 : vector<16xf32>
      %add3A_458 = arith.constant 2 : i32
      %add3A_459 = arith.addi %mul3A_260, %add3A_458 : i32
      %get3A_460 = arith.constant 1 : i32
      %get3A_461 = arith.index_cast %get3A_460 : i32 to index
      %get3A_462 = arith.index_cast %add3A_459 : i32 to index
      %get3A_463 = arith.constant 96 : index
      %get3A_464 = tpu.vector_load %arg6[%get3A_461, %get3A_462, %get3A_463] {strides = array<i32>} : memref<2x200x128xf32, #tpu.memory_space<vmem>>, vector<1x1x16xf32>,
      %get3A_465 = vector.shape_cast %get3A_464 : vector<1x1x16xf32> to vector<16xf32>
      %add3A_466 = arith.addf %add3A_394, %get3A_465 : vector<16xf32>
      %add3A_467 = arith.constant 2 : i32
      %add3A_468 = arith.addi %mul3A_260, %add3A_467 : i32
      %get3A_469 = arith.constant 1 : i32
      %get3A_470 = arith.index_cast %get3A_469 : i32 to index
      %get3A_471 = arith.index_cast %add3A_468 : i32 to index
      %get3A_472 = arith.constant 112 : index
      %get3A_473 = tpu.vector_load %arg6[%get3A_470, %get3A_471, %get3A_472] {strides = array<i32>} : memref<2x200x128xf32, #tpu.memory_space<vmem>>, vector<1x1x16xf32>,
      %get3A_474 = vector.shape_cast %get3A_473 : vector<1x1x16xf32> to vector<16xf32>
      %add3A_475 = arith.addf %add3A_403, %get3A_474 : vector<16xf32>
      %add3A_476 = arith.constant 3 : i32
      %add3A_477 = arith.addi %mul3A_260, %add3A_476 : i32
      %get3A_478 = arith.constant 1 : i32
      %get3A_479 = arith.index_cast %get3A_478 : i32 to index
      %get3A_480 = arith.index_cast %add3A_477 : i32 to index
      %get3A_481 = arith.constant 0 : index
      %get3A_482 = tpu.vector_load %arg6[%get3A_479, %get3A_480, %get3A_481] {strides = array<i32>} : memref<2x200x128xf32, #tpu.memory_space<vmem>>, vector<1x1x16xf32>,
      %get3A_483 = vector.shape_cast %get3A_482 : vector<1x1x16xf32> to vector<16xf32>
      %add3A_484 = arith.addf %add3A_412, %get3A_483 : vector<16xf32>
      %add3A_485 = arith.constant 3 : i32
      %add3A_486 = arith.addi %mul3A_260, %add3A_485 : i32
      %get3A_487 = arith.constant 1 : i32
      %get3A_488 = arith.index_cast %get3A_487 : i32 to index
      %get3A_489 = arith.index_cast %add3A_486 : i32 to index
      %get3A_490 = arith.constant 16 : index
      %get3A_491 = tpu.vector_load %arg6[%get3A_488, %get3A_489, %get3A_490] {strides = array<i32>} : memref<2x200x128xf32, #tpu.memory_space<vmem>>, vector<1x1x16xf32>,
      %get3A_492 = vector.shape_cast %get3A_491 : vector<1x1x16xf32> to vector<16xf32>
      %add3A_493 = arith.addf %add3A_421, %get3A_492 : vector<16xf32>
      %add3A_494 = arith.constant 3 : i32
      %add3A_495 = arith.addi %mul3A_260, %add3A_494 : i32
      %get3A_496 = arith.constant 1 : i32
      %get3A_497 = arith.index_cast %get3A_496 : i32 to index
      %get3A_498 = arith.index_cast %add3A_495 : i32 to index
      %get3A_499 = arith.constant 32 : index
      %get3A_500 = tpu.vector_load %arg6[%get3A_497, %get3A_498, %get3A_499] {strides = array<i32>} : memref<2x200x128xf32, #tpu.memory_space<vmem>>, vector<1x1x16xf32>,
      %get3A_501 = vector.shape_cast %get3A_500 : vector<1x1x16xf32> to vector<16xf32>
      %add3A_502 = arith.addf %add3A_430, %get3A_501 : vector<16xf32>
      %add3A_503 = arith.constant 3 : i32
      %add3A_504 = arith.addi %mul3A_260, %add3A_503 : i32
      %get3A_505 = arith.constant 1 : i32
      %get3A_506 = arith.index_cast %get3A_505 : i32 to index
      %get3A_507 = arith.index_cast %add3A_504 : i32 to index
      %get3A_508 = arith.constant 48 : index
      %get3A_509 = tpu.vector_load %arg6[%get3A_506, %get3A_507, %get3A_508] {strides = array<i32>} : memref<2x200x128xf32, #tpu.memory_space<vmem>>, vector<1x1x16xf32>,
      %get3A_510 = vector.shape_cast %get3A_509 : vector<1x1x16xf32> to vector<16xf32>
      %add3A_511 = arith.addf %add3A_439, %get3A_510 : vector<16xf32>
      %add3A_512 = arith.constant 3 : i32
      %add3A_513 = arith.addi %mul3A_260, %add3A_512 : i32
      %get3A_514 = arith.constant 1 : i32
      %get3A_515 = arith.index_cast %get3A_514 : i32 to index
      %get3A_516 = arith.index_cast %add3A_513 : i32 to index
      %get3A_517 = arith.constant 64 : index
      %get3A_518 = tpu.vector_load %arg6[%get3A_515, %get3A_516, %get3A_517] {strides = array<i32>} : memref<2x200x128xf32, #tpu.memory_space<vmem>>, vector<1x1x16xf32>,
      %get3A_519 = vector.shape_cast %get3A_518 : vector<1x1x16xf32> to vector<16xf32>
      %add3A_520 = arith.addf %add3A_448, %get3A_519 : vector<16xf32>
      %add3A_521 = arith.constant 3 : i32
      %add3A_522 = arith.addi %mul3A_260, %add3A_521 : i32
      %get3A_523 = arith.constant 1 : i32
      %get3A_524 = arith.index_cast %get3A_523 : i32 to index
      %get3A_525 = arith.index_cast %add3A_522 : i32 to index
      %get3A_526 = arith.constant 80 : index
      %get3A_527 = tpu.vector_load %arg6[%get3A_524, %get3A_525, %get3A_526] {strides = array<i32>} : memref<2x200x128xf32, #tpu.memory_space<vmem>>, vector<1x1x16xf32>,
      %get3A_528 = vector.shape_cast %get3A_527 : vector<1x1x16xf32> to vector<16xf32>
      %add3A_529 = arith.addf %add3A_457, %get3A_528 : vector<16xf32>
      %add3A_530 = arith.constant 3 : i32
      %add3A_531 = arith.addi %mul3A_260, %add3A_530 : i32
      %get3A_532 = arith.constant 1 : i32
      %get3A_533 = arith.index_cast %get3A_532 : i32 to index
      %get3A_534 = arith.index_cast %add3A_531 : i32 to index
      %get3A_535 = arith.constant 96 : index
      %get3A_536 = tpu.vector_load %arg6[%get3A_533, %get3A_534, %get3A_535] {strides = array<i32>} : memref<2x200x128xf32, #tpu.memory_space<vmem>>, vector<1x1x16xf32>,
      %get3A_537 = vector.shape_cast %get3A_536 : vector<1x1x16xf32> to vector<16xf32>
      %add3A_538 = arith.addf %add3A_466, %get3A_537 : vector<16xf32>
      %add3A_539 = arith.constant 3 : i32
      %add3A_540 = arith.addi %mul3A_260, %add3A_539 : i32
      %get3A_541 = arith.constant 1 : i32
      %get3A_542 = arith.index_cast %get3A_541 : i32 to index
      %get3A_543 = arith.index_cast %add3A_540 : i32 to index
      %get3A_544 = arith.constant 112 : index
      %get3A_545 = tpu.vector_load %arg6[%get3A_542, %get3A_543, %get3A_544] {strides = array<i32>} : memref<2x200x128xf32, #tpu.memory_space<vmem>>, vector<1x1x16xf32>,
      %get3A_546 = vector.shape_cast %get3A_545 : vector<1x1x16xf32> to vector<16xf32>
      %add3A_547 = arith.addf %add3A_475, %get3A_546 : vector<16xf32>
      scf.yield %add3A_484, %add3A_493, %add3A_502, %add3A_511, %add3A_520, %add3A_529, %add3A_538, %add3A_547 : vector<16xf32>, vector<16xf32>, vector<16xf32>, vector<16xf32>, vector<16xf32>, vector<16xf32>, vector<16xf32>, vector<16xf32>
    }
    %scan3A_199 = arith.constant 50 : i32
    %swap3A_200 = arith.constant 127 : i32
    %swap3A_201 = arith.index_cast %swap3A_200 : i32 to index
    %swap3A_202 = arith.constant 0 : index
    %swap3A_203 = tpu.vector_load %arg7[%swap3A_201, %swap3A_202] {strides = array<i32>} : memref<128x128xf32, #tpu.memory_space<vmem>>, vector<1x16xf32>,
    %swap3A_204 = vector.shape_cast %swap3A_203 : vector<1x16xf32> to vector<16xf32>
    %swap3A_205 = vector.shape_cast %scan3A_198#0 : vector<16xf32> to vector<1x16xf32>
    tpu.vector_store %arg7[%swap3A_201, %swap3A_202], %swap3A_205 {strides = array<i32>} : memref<128x128xf32, #tpu.memory_space<vmem>>, vector<1x16xf32>,
    %swap3A_206 = arith.constant 127 : i32
    %swap3A_207 = arith.index_cast %swap3A_206 : i32 to index
    %swap3A_208 = arith.constant 16 : index
    %swap3A_209 = tpu.vector_load %arg7[%swap3A_207, %swap3A_208] {strides = array<i32>} : memref<128x128xf32, #tpu.memory_space<vmem>>, vector<1x16xf32>,
    %swap3A_210 = vector.shape_cast %swap3A_209 : vector<1x16xf32> to vector<16xf32>
    %swap3A_211 = vector.shape_cast %scan3A_198#1 : vector<16xf32> to vector<1x16xf32>
    tpu.vector_store %arg7[%swap3A_207, %swap3A_208], %swap3A_211 {strides = array<i32>} : memref<128x128xf32, #tpu.memory_space<vmem>>, vector<1x16xf32>,
    %swap3A_212 = arith.constant 127 : i32
    %swap3A_213 = arith.index_cast %swap3A_212 : i32 to index
    %swap3A_214 = arith.constant 32 : index
    %swap3A_215 = tpu.vector_load %arg7[%swap3A_213, %swap3A_214] {strides = array<i32>} : memref<128x128xf32, #tpu.memory_space<vmem>>, vector<1x16xf32>,
    %swap3A_216 = vector.shape_cast %swap3A_215 : vector<1x16xf32> to vector<16xf32>
    %swap3A_217 = vector.shape_cast %scan3A_198#2 : vector<16xf32> to vector<1x16xf32>
    tpu.vector_store %arg7[%swap3A_213, %swap3A_214], %swap3A_217 {strides = array<i32>} : memref<128x128xf32, #tpu.memory_space<vmem>>, vector<1x16xf32>,
    %swap3A_218 = arith.constant 127 : i32
    %swap3A_219 = arith.index_cast %swap3A_218 : i32 to index
    %swap3A_220 = arith.constant 48 : index
    %swap3A_221 = tpu.vector_load %arg7[%swap3A_219, %swap3A_220] {strides = array<i32>} : memref<128x128xf32, #tpu.memory_space<vmem>>, vector<1x16xf32>,
    %swap3A_222 = vector.shape_cast %swap3A_221 : vector<1x16xf32> to vector<16xf32>
    %swap3A_223 = vector.shape_cast %scan3A_198#3 : vector<16xf32> to vector<1x16xf32>
    tpu.vector_store %arg7[%swap3A_219, %swap3A_220], %swap3A_223 {strides = array<i32>} : memref<128x128xf32, #tpu.memory_space<vmem>>, vector<1x16xf32>,
    %swap3A_224 = arith.constant 127 : i32
    %swap3A_225 = arith.index_cast %swap3A_224 : i32 to index
    %swap3A_226 = arith.constant 64 : index
    %swap3A_227 = tpu.vector_load %arg7[%swap3A_225, %swap3A_226] {strides = array<i32>} : memref<128x128xf32, #tpu.memory_space<vmem>>, vector<1x16xf32>,
    %swap3A_228 = vector.shape_cast %swap3A_227 : vector<1x16xf32> to vector<16xf32>
    %swap3A_229 = vector.shape_cast %scan3A_198#4 : vector<16xf32> to vector<1x16xf32>
    tpu.vector_store %arg7[%swap3A_225, %swap3A_226], %swap3A_229 {strides = array<i32>} : memref<128x128xf32, #tpu.memory_space<vmem>>, vector<1x16xf32>,
    %swap3A_230 = arith.constant 127 : i32
    %swap3A_231 = arith.index_cast %swap3A_230 : i32 to index
    %swap3A_232 = arith.constant 80 : index
    %swap3A_233 = tpu.vector_load %arg7[%swap3A_231, %swap3A_232] {strides = array<i32>} : memref<128x128xf32, #tpu.memory_space<vmem>>, vector<1x16xf32>,
    %swap3A_234 = vector.shape_cast %swap3A_233 : vector<1x16xf32> to vector<16xf32>
    %swap3A_235 = vector.shape_cast %scan3A_198#5 : vector<16xf32> to vector<1x16xf32>
    tpu.vector_store %arg7[%swap3A_231, %swap3A_232], %swap3A_235 {strides = array<i32>} : memref<128x128xf32, #tpu.memory_space<vmem>>, vector<1x16xf32>,
    %swap3A_236 = arith.constant 127 : i32
    %swap3A_237 = arith.index_cast %swap3A_236 : i32 to index
    %swap3A_238 = arith.constant 96 : index
    %swap3A_239 = tpu.vector_load %arg7[%swap3A_237, %swap3A_238] {strides = array<i32>} : memref<128x128xf32, #tpu.memory_space<vmem>>, vector<1x16xf32>,
    %swap3A_240 = vector.shape_cast %swap3A_239 : vector<1x16xf32> to vector<16xf32>
    %swap3A_241 = vector.shape_cast %scan3A_198#6 : vector<16xf32> to vector<1x16xf32>
    tpu.vector_store %arg7[%swap3A_237, %swap3A_238], %swap3A_241 {strides = array<i32>} : memref<128x128xf32, #tpu.memory_space<vmem>>, vector<1x16xf32>,
    %swap3A_242 = arith.constant 127 : i32
    %swap3A_243 = arith.index_cast %swap3A_242 : i32 to index
    %swap3A_244 = arith.constant 112 : index
    %swap3A_245 = tpu.vector_load %arg7[%swap3A_243, %swap3A_244] {strides = array<i32>} : memref<128x128xf32, #tpu.memory_space<vmem>>, vector<1x16xf32>,
    %swap3A_246 = vector.shape_cast %swap3A_245 : vector<1x16xf32> to vector<16xf32>
    %swap3A_247 = vector.shape_cast %scan3A_198#7 : vector<16xf32> to vector<1x16xf32>
    tpu.vector_store %arg7[%swap3A_243, %swap3A_244], %swap3A_247 {strides = array<i32>} : memref<128x128xf32, #tpu.memory_space<vmem>>, vector<1x16xf32>,
    %mul3A_248 = arith.constant 128 : i32
    %mul3A_249 = arith.muli %add3A, %mul3A_248 : i32
    "tpu.region"() ({
      %run_scoped3A = tpu.sem_alloc : memref<!tpu.dma_semaphore, #tpu.memory_space<semaphore_mem>>
      %dma_start3A_250 = arith.constant 0 : i32
      %dma_start3A_251 = tpu.memref_slice %arg4[%mul3A_249, %dma_start3A_250] : memref<4096x128xf32, #tpu.memory_space<hbm>> -> memref<128x128xf32, #tpu.memory_space<hbm>>
      %dma_start3A_252 = arith.constant 0 : i32
      %dma_start3A_253 = tpu.memref_slice %arg4[%mul3A_249, %dma_start3A_252] : memref<4096x128xf32, #tpu.memory_space<hbm>> -> memref<128x128xf32, #tpu.memory_space<hbm>>
      tpu.enqueue_dma source(%arg7 : memref<128x128xf32, #tpu.memory_space<vmem>>) target(%dma_start3A_253 : memref<128x128xf32, #tpu.memory_space<hbm>>) target_semaphore(%run_scoped3A : memref<!tpu.dma_semaphore, #tpu.memory_space<semaphore_mem>>)
      %dma_wait3A_254 = arith.constant 0 : i32
      %dma_wait3A_255 = tpu.memref_slice %arg4[%mul3A_249, %dma_wait3A_254] : memref<4096x128xf32, #tpu.memory_space<hbm>> -> memref<128x128xf32, #tpu.memory_space<hbm>>
      %dma_wait3A_256 = arith.constant 0 : i32
      %dma_wait3A_257 = tpu.memref_slice %arg4[%mul3A_249, %dma_wait3A_256] : memref<4096x128xf32, #tpu.memory_space<hbm>> -> memref<128x128xf32, #tpu.memory_space<hbm>>
      tpu.wait_dma2 semaphore(%run_scoped3A : memref<!tpu.dma_semaphore, #tpu.memory_space<semaphore_mem>>) src(%arg7 : memref<128x128xf32, #tpu.memory_space<vmem>>) dst(%dma_wait3A_257 : memref<128x128xf32, #tpu.memory_space<hbm>>)
      tpu.yield
    }) : () -> ()
    return
  }
}

module attributes {stable_mosaic.version = 14 : i64} {
  func.func @body(%arg0: i32, %arg1: memref<512x128xf32, #tpu.memory_space<vmem>>, %arg2: memref<1000x128xf32, #tpu.memory_space<vmem>>, %arg3: memref<1x1000xf32, #tpu.memory_space<vmem>>, %arg4: memref<512x1000xf32, #tpu.memory_space<vmem>>) attributes {dimension_semantics = [#tpu.dimension_semantics<arbitrary>], iteration_bounds = array<i64: 8>, scalar_prefetch = 0 : i64, scratch_operands = 0 : i64, tpu.core_type = #tpu.core_type<tc>, window_params = [{transform_indices = @transform_0, window_bounds = array<i64: 512, 128>}, {pipeline_mode = #tpu.pipeline_mode<synchronous>, transform_indices = @transform_1, window_bounds = array<i64: 1000, 128>}, {pipeline_mode = #tpu.pipeline_mode<synchronous>, transform_indices = @transform_2, window_bounds = array<i64: 1, 1000>}, {transform_indices = @transform_3, window_bounds = array<i64: 512, 1000>}]} {
    %get3A = arith.constant 0 : index
    %get3A_0 = arith.constant 0 : index
    %get3A_1 = vector.load %arg1[%get3A, %get3A_0] : memref<512x128xf32, #tpu.memory_space<vmem>>, vector<512x128xf32>
    %convert_element_type3A = arith.truncf %get3A_1 : vector<512x128xf32> to vector<512x128xbf16>
    %get3A_2 = arith.constant 0 : index
    %get3A_3 = arith.constant 0 : index
    %get3A_4 = vector.load %arg2[%get3A_2, %get3A_3] : memref<1000x128xf32, #tpu.memory_space<vmem>>, vector<1000x128xf32>
    %mul3A = arith.constant 5.000000e-03 : f32
    %mul3A_5 = vector.broadcast %mul3A : f32 to vector<1000x128xf32>
    %mul3A_6 = arith.mulf %get3A_4, %mul3A_5 : vector<1000x128xf32>
    %convert_element_type3A_7 = arith.truncf %mul3A_6 : vector<1000x128xf32> to vector<1000x128xbf16>
    %dot_general3A = arith.constant dense<0.000000e+00> : vector<512x1000xf32>
    %dot_general3A_8 = tpu.matmul %convert_element_type3A, %convert_element_type3A_7, %dot_general3A {dimension_numbers = #tpu.dot_dimension_numbers<[1], [1], [0], [0], [0, 0, 1, 0], [], []>, transpose_lhs_hint = false} : vector<512x128xbf16>, vector<1000x128xbf16>, vector<512x1000xf32> -> vector<512x1000xf32>
    %get3A_9 = arith.constant 0 : index
    %get3A_10 = arith.constant 0 : index
    %get3A_11 = vector.load %arg3[%get3A_9, %get3A_10] : memref<1x1000xf32, #tpu.memory_space<vmem>>, vector<1x1000xf32>
    %add3A = vector.broadcast %get3A_11 : vector<1x1000xf32> to vector<512x1000xf32>
    %add3A_12 = arith.addf %dot_general3A_8, %add3A : vector<512x1000xf32>
    %reduce_max3A = arith.constant dense<0xFF800000> : vector<512xf32>
    %reduce_max3A_13 = vector.multi_reduction <maximumf>, %add3A_12, %reduce_max3A [1] : vector<512x1000xf32> to vector<512xf32>
    %broadcast_in_dim3A = vector.shape_cast %reduce_max3A_13 : vector<512xf32> to vector<512x1xf32>
    %sub3A = vector.broadcast %broadcast_in_dim3A : vector<512x1xf32> to vector<512x1000xf32>
    %sub3A_14 = arith.subf %add3A_12, %sub3A : vector<512x1000xf32>
    %exp3A = math.exp %sub3A_14 : vector<512x1000xf32>
    %reduce_sum3A = arith.constant dense<0.000000e+00> : vector<512xf32>
    %reduce_sum3A_15 = vector.multi_reduction <add>, %exp3A, %reduce_sum3A [1] : vector<512x1000xf32> to vector<512xf32>
    %broadcast_in_dim3A_16 = vector.shape_cast %reduce_sum3A_15 : vector<512xf32> to vector<512x1xf32>
    %log3A = math.log %broadcast_in_dim3A_16 : vector<512x1xf32>
    %add3A_17 = arith.addf %log3A, %broadcast_in_dim3A : vector<512x1xf32>
    %sub3A_18 = vector.broadcast %add3A_17 : vector<512x1xf32> to vector<512x1000xf32>
    %sub3A_19 = arith.subf %add3A_12, %sub3A_18 : vector<512x1000xf32>
    %swap3A = arith.constant 0 : index
    %swap3A_20 = arith.constant 0 : index
    %swap3A_21 = vector.load %arg4[%swap3A, %swap3A_20] : memref<512x1000xf32, #tpu.memory_space<vmem>>, vector<512x1000xf32>
    tpu.vector_store %arg4[%swap3A, %swap3A_20], %sub3A_19 {strides = array<i32>} : memref<512x1000xf32, #tpu.memory_space<vmem>>, vector<512x1000xf32>,
    return
  }
  func.func @transform_0(%arg0: i32) -> (i32, i32) {
    %c0_i32 = arith.constant 0 : i32
    %c0_i32_0 = arith.constant 0 : i32
    return %arg0, %c0_i32 : i32, i32
  }
  func.func @transform_1(%arg0: i32) -> (i32, i32) {
    %c0_i32 = arith.constant 0 : i32
    %c0_i32_0 = arith.constant 0 : i32
    %c0_i32_1 = arith.constant 0 : i32
    return %c0_i32, %c0_i32_0 : i32, i32
  }
  func.func @transform_2(%arg0: i32) -> (i32, i32) {
    %c0_i32 = arith.constant 0 : i32
    %c0_i32_0 = arith.constant 0 : i32
    %c0_i32_1 = arith.constant 0 : i32
    return %c0_i32, %c0_i32_0 : i32, i32
  }
  func.func @transform_3(%arg0: i32) -> (i32, i32) {
    %c0_i32 = arith.constant 0 : i32
    %c0_i32_0 = arith.constant 0 : i32
    return %arg0, %c0_i32 : i32, i32
  }
}

</mosaic_0001>

<sc_bundles>
// kernel: kernel.4.cloned.1.call-start
scs
__scs_entry_jumppad:
0x0: {  	(pc) =	sbr.rel $0x88, $3  }
0x1: {  	(tag) =	ssettag $0x0;
	lr =	simm.s32 $0x1  }
0x2: {  	[smem:$0x3F9D] =	sst lr;
	_ =	strace $0xD0000000  }
0x3: {  	_ = 	snop  }
0x4: {  	_ = 	snop  }
0x5: {  	_ = 	snop  }
0x6: {  	_ = 	snop  }
0x7: {  	_ = 	snop  }
__scs_overlays_trampoline_lowered:
0x8: {  	[smem:$0x3FAC] =	sst s0  }
0x9: {  	[smem:$0x3FAD] =	sst s1  }
0xa: {  	[smem:$0x3FAE] =	sst s2  }
0xb: {  	[smem:$0x3FAF] =	sst s3  }
0xc: {  	[smem:$0x3FB0] =	sst s4  }
0xd: {  	[smem:$0x3FB1] =	sst s5  }
0xe: {  	[smem:$0x3FB2] =	sst s6  }
0xf: {  	[smem:$0x3FB3] =	sst s7  }
0x10: {  	[smem:$0x3FB4] =	sst s8  }
0x11: {  	[smem:$0x3FB5] =	sst s9;
	s0 =	simm.s32 @!p0 $0x0  }
0x12: {  	s1 =	sld [smem:$0x3F9B];
	s0 =	simm.s32 @p0 $0x1  }
0x13: {  	[smem:$0x3FB6] =	sst s0;
	s0 =	simm.s32 @!p1 $0x0  }
0x14: {  	s2 =	sld [smem:$0x3F9A];
	s0 =	simm.s32 @p1 $0x1  }
0x15: {  	[smem:$0x3FB7] =	sst s0;
	s0 =	simm.s32 @!p2 $0x0  }
0x16: {  	s3 =	sld [smem:$0x3FDB];
	s0 =	simm.s32 @p2 $0x1  }
0x17: {  	s4 =	simm.s32 $0x1BF5;
	[smem:$0x3FB9] =	sst s0  }
0x18: {  	s0 =	sld [smem:$0x3F9C];
	_ =	swait.ge [sflag:s4], $0x0  }
0x19: {  	s7 =	sld [smem:$0x3F9D]  }
0x1a: {  	s8 =	sadd.s32 $0xFFFFE003, lr  }
0x1b: {  	s9 =	sadd.s32 $0xFFFFFEF7, lr;
	s5 =	simm.s32 $0xFFFFFFFF;
	p2 =	slt.u32 s8, $0xFFFFF086  }
0x1c: {  	p1 =	slt.u32 s9, $0xF7A;
	s5 =	simm.s32 @!p2 $0x0  }
0x1d: {  	s5 =	simm.s32 @p1 $0x1;
	p0 =	seq.s32 s7, s2  }
0x1e: {  	s7 =	smul.u32 @!p0 $0xF7A, s2;
	p2 =	seq.s32 @!p0 s5, $0x0  }
0x1f: {  	s9 =	smul.u32 $0xF7A, s1;
	s8 =	simm.s32 @!p0 $0x1BF5;
	p2 =	por !p2, p0  }
0x20: {  	[sflag:s8] =	ssyncset.s32 @!p0 $0xFFFFF086;
	s6 =	sadd.s32 @!p0 s3, s7;
	s7 =	simm.s32 @!p0 $0x108  }
0x21: {  	s3 =	sadd.s32 s3, s9;
	s6 =	sadd.s32 @!p0 $0x88, s6;
	s7 =	simm.s32 @p2 $0x1082  }
0x22: {  	[simem:s7], [sflag:s8] =	dma.local @!p0 [hbm:s6], $0xF7A  }
0x23: {  	s9 =	sor.u32 $0xD0000000, s2;
	s6 =	simm.s32 $0x108;
	_ =	swait.ge @!p0 [sflag:s8], $0x0  }
0x24: {  	s3 =	sadd.s32 $0x88, s3;
	s6 =	simm.s32 @!p1 $0x1082;
	[sflag:s4] =	ssyncset.s32 $0xFFFFF086  }
0x25: {  	[simem:s6], [sflag:s4] =	dma.local [hbm:s3], $0xF7A  }
0x26: {  	[smem:$0x3F9D] =	sst s1;
	(tag) =	ssettag s2;
	_ =	strace s9  }
0x27: {  	s1 =	sld [smem:$0x3FAD]  }
0x28: {  	s2 =	sld [smem:$0x3FAE]  }
0x29: {  	s4 =	sld [smem:$0x3FB0]  }
0x2a: {  	p0 =	seq.s32 s5, $0x0;
	s5 =	sld [smem:$0x3FB1]  }
0x2b: {  	s6 =	sld [smem:$0x3FB2]  }
0x2c: {  	s7 =	sld [smem:$0x3FB3]  }
0x2d: {  	s3 =	simm.s32 $0x108;
	s8 =	sld [smem:$0x3FB4]  }
0x2e: {  	s3 =	simm.s32 @!p0 $0x1082;
	s9 =	sld [smem:$0x3FB5]  }
0x2f: {  	lr =	sadd.s32 s0, s3;
	s0 =	sld [smem:$0x3FAC]  }
0x30: {  	s3 =	sld [smem:$0x3FAF]  }
0x31: {  	[smem:$0x3FB8] =	sst s10  }
0x32: {  	s10 =	sld [smem:$0x3FB6];
	_ =	sdelay $0x3  }
0x33: {  	p0 =	seq.s32 s10, $0x1;
	s10 =	sld [smem:$0x3FB8];
	_ =	sdelay $0x3  }
0x34: {  	[smem:$0x3FB8] =	sst s10  }
0x35: {  	s10 =	sld [smem:$0x3FB7];
	_ =	sdelay $0x3  }
0x36: {  	p1 =	seq.s32 s10, $0x1;
	s10 =	sld [smem:$0x3FB8];
	_ =	sdelay $0x3  }
0x37: {  	[smem:$0x3FB8] =	sst s10  }
0x38: {  	s10 =	sld [smem:$0x3FB9]  }
0x39: {  	_ = 	snop;
	(pc) =	sbr.ind lr, $3  }
0x3a: {  	_ = 	snop  }
0x3b: {  	_ = 	snop  }
0x3c: {  	p2 =	seq.s32 s10, $0x1;
	s10 =	sld [smem:$0x3FB8]  }
0x3d: {  	_ =	shalt  }
0x3e: {  	_ =	shalt  }
0x3f: {  	_ =	shalt  }
0x40: {  	_ =	shalt  }
0x41: {  	_ =	shalt  }
0x42: {  	_ =	shalt  }
0x43: {  	_ =	shalt  }
0x44: {  	_ =	shalt  }
0x45: {  	_ =	shalt  }
0x46: {  	_ =	shalt  }
0x47: {  	_ =	shalt  }
0x48: {  	_ =	shalt  }
0x49: {  	_ =	shalt  }
0x4a: {  	_ =	shalt  }
0x4b: {  	_ =	shalt  }
0x4c: {  	_ =	shalt  }
0x4d: {  	_ =	shalt  }
0x4e: {  	_ =	shalt  }
0x4f: {  	_ =	shalt  }
0x50: {  	_ =	shalt  }
0x51: {  	_ =	shalt  }
0x52: {  	_ =	shalt  }
0x53: {  	_ =	shalt  }
0x54: {  	_ =	shalt  }
0x55: {  	_ =	shalt  }
0x56: {  	_ =	shalt  }
0x57: {  	_ =	shalt  }
0x58: {  	_ =	shalt  }
0x59: {  	_ =	shalt  }
0x5a: {  	_ =	shalt  }
0x5b: {  	_ =	shalt  }
0x5c: {  	_ =	shalt  }
0x5d: {  	_ =	shalt  }
0x5e: {  	_ =	shalt  }
0x5f: {  	_ =	shalt  }
0x60: {  	_ =	shalt  }
0x61: {  	_ =	shalt  }
0x62: {  	_ =	shalt  }
0x63: {  	_ =	shalt  }
0x64: {  	_ =	shalt  }
0x65: {  	_ =	shalt  }
0x66: {  	_ =	shalt  }
0x67: {  	_ =	shalt  }
0x68: {  	_ =	shalt  }
0x69: {  	_ =	shalt  }
0x6a: {  	_ =	shalt  }
0x6b: {  	_ =	shalt  }
0x6c: {  	_ =	shalt  }
0x6d: {  	_ =	shalt  }
0x6e: {  	_ =	shalt  }
0x6f: {  	_ =	shalt  }
0x70: {  	_ =	shalt  }
0x71: {  	_ =	shalt  }
0x72: {  	_ =	shalt  }
0x73: {  	_ =	shalt  }
0x74: {  	_ =	shalt  }
0x75: {  	_ =	shalt  }
0x76: {  	_ =	shalt  }
0x77: {  	_ =	shalt  }
0x78: {  	_ =	shalt  }
0x79: {  	_ =	shalt  }
0x7a: {  	_ =	shalt  }
0x7b: {  	_ =	shalt  }
0x7c: {  	_ =	shalt  }
0x7d: {  	_ =	shalt  }
0x7e: {  	_ =	shalt  }
0x7f: {  	_ =	shalt  }
0x80: {  	_ =	shalt  }
0x81: {  	_ =	shalt  }
0x82: {  	_ =	shalt  }
0x83: {  	_ =	shalt  }
0x84: {  	_ =	shalt  }
0x85: {  	_ =	shalt  }
0x86: {  	_ =	shalt  }
0x87: {  	_ =	shalt  }
.Lfunc_end0:
.L_simem_size_0:
called_computation_lowered:
.L_overlay_start_0:
0x88: {  	s2 =	sld [smem:$0x3FD9]  }
0x89: {  	s3 =	sld [smem:$0x3FFE];
	_ =	sdelay $0x1  }
0x8a: {  	s1 =	srdreg.scid  }
0x8b: {  	s0 =	sand.u32 $0x1, s1  }
0x8c: {  	s17 =	sshll.u32 s0, $0xA;
	s2 =	sadd.s32 s3, s2  }
0x8d: {  	s2 =	sadd.s32 s2, s17  }
0x8e: {  	[smem:$0x3FC4] =	sst s2  }
0x8f: {  	_ = 	snop  }
0x90: {  	s2 =	sld [smem:$0x3FC8]  }
0x91: {  	s18 =	sld [smem:$0x3FD0];
	(tm) =	ssettm $0x1  }
0x92: {  	s4 =	sld [smem:$0x3FFB];
	_ =	sdelay $0x3  }
0x93: {  	_ =	strace s4  }
0x94: {  	s4 =	sld [smem:$0x3FFC];
	_ =	sdelay $0x3  }
0x95: {  	_ =	strace s4  }
0x96: {  	s4 =	sld [smem:$0x3FFD];
	_ =	sdelay $0x3  }
0x97: {  	_ =	strace s4  }
0x98: {  	_ =	strace $0x8FFFFFFF  }
0x99: {  	s19 =	sld [smem:$0x3FDB];
	_ =	sdelay $0x1  }
0x9a: {  	s5 =	simm.s32 $_scs_section_size  }
0x9b: {  	s6 =	simm.s32 $_size__tile_overlayer_lowered;
	s7 =	simm.s32 $_tile_overlayer_lowered  }
0x9c: {  	s22 =	simm.s32 $0x1BFF;
	s21 =	sshll.u32 s7, $0x1;
	s4 =	sadd.s32 s5, s19  }
0x9d: {  	s8 =	simm.s32 $0x0;
	s20 =	sshll.u32 s6, $0x1;
	s6 =	sadd.s32 s21, s4  }
0x9e: {  	[timem:s8], [sflag:s22] =	dma.local [hbm:s6], s20  }
0x9f: {  	_ =	swait.ge [sflag:s22], s20  }
0xa0: {  	s5 =	ssub.s32 $0x0, s20;
	[sflag:s22] =	ssyncset.done $0x0  }
0xa1: {  	[sflag:s22] =	ssyncadd.s32 s5;
	_ =	sdelay $0x1  }
0xa2: {  	s23 =	simm.s32 $0x1B8B  }
0xa3: {  	_ =	swait.ge [sflag:s23], $0x1  }
0xa4: {  	[sflag:s23] =	ssyncset.done $0x0  }
0xa5: {  	s25 =	simm.s32 $0x1B8E;
	s24 =	sld [smem:$0x3FFE];
	[sflag:s23] =	ssyncadd.s32 $0xFFFFFFFF  }
0xa6: {  	s26 =	simm.s32 $execute0_lowered;
	[smem:$0x3FD2] =	sst s25  }
0xa7: {  	s6 =	sshll.u32 s26, $0x1;
	_ =	strace $0x80000046;
	[dreg:$0x1] =	wrdreg $0xFFFFFFFF  }
0xa8: {  	s28 =	simm.s32 $_size_execute0_lowered;
	s4 =	sadd.s32 s4, s6;
	[dreg:$0x0] =	wrdreg $0x0  }
0xa9: {  	s6 =	sshll.u32 s28, $0x1;
	[dreg:$0x2] =	wrdreg s4  }
0xaa: {  	[dreg:$0x3] =	wrdreg s6  }
0xab: {  	[dreg:$0x4] =	wrdreg $0xC0  }
0xac: {  	_ =	task [dreg:s8], $0x5FFFF  }
0xad: {  	[dreg:$0x1] =	wrdreg $0xFFFFFFFF  }
0xae: {  	[dreg:$0x0] =	wrdreg $0x60  }
0xaf: {  	[dreg:$0x2] =	wrdreg s18  }
0xb0: {  	[dreg:$0x3] =	wrdreg s2  }
0xb1: {  	[dreg:$0x4] =	wrdreg s24  }
0xb2: {  	[dreg:$0x5] =	wrdreg $0x9  }
0xb3: {  	_ =	task.clear_ibuf [dreg:s8], $0x6FFFF;
	_ =	strace $0x90000046  }
0xb4: {  	s29 =	simm.s32 $0x9;
	_ =	strace $0x80000048  }
0xb5: {  	_ =	swait.ge [sflag:s29], $0x1  }
0xb6: {  	[sflag:s29] =	ssyncadd.s32 $0xFFFFFFFF  }
0xb7: {  	_ =	strace $0x90000048  }
0xb8: {  	_ =	sfence  }
0xb9: {  	s30 =	sld [smem:$0x0];
	_ =	sdelay $0x2  }
0xba: {  	s31 =	sshll.u32 s1, $0xD;
	s1 =	sshrl.u32 s1, $0x2  }
0xbb: {  	s3 =	sand.u32 $0x4000, s31;
	s1 =	sadd.s32 s1, s30  }
0xbc: {  	s0 =	sor.u32 s3, s0;
	s1 =	sshll.u32 s1, $0x11  }
0xbd: {  	s0 =	sor.u32 s1, s0  }
0xbe: {  	s0 =	sadd.s32 $0x8F2B, s0  }
0xbf: {  	[sflag:s0] =	ssyncadd.remote.s32 $0x1  }
0xc0: {  	_ =	sfence.sel $0xFFFF  }
0xc1: {  	[dreg:$0x0] =	wrdreg $0xFFFFFFFF;
	(pc) =	sbr.abs _section_cstart, $3  }
0xc2: {  	[dreg:$0x1] =	wrdreg $0xFFFFFFFF  }
0xc3: {  	_ =	task.clear_ibuf [dreg:s8], $0x2FFFF;
	_ =	strace $0x9FFFFFFF  }
0xc4: {  	(tm) =	ssettm $0x7FFFFFFF  }
0xc5: {  	_ =	shalt  }
tec
execute0_lowered:
.L_overlay_start_1:
0x0: {  	(tag) =	ssettag $0x1  }
0x1: {  	s4 =	rddreg [dreg:$0x0]  }
0x2: {  	s2 =	rddreg [dreg:$0x1]  }
0x3: {  	s1 =	srdreg.scid;
	s0 =	stileid.u32  }
0x4: {  	s5 =	rddreg [dreg:$0x2];
	s3 =	simm.s32 $0x0;
	s10 =	simm.s32 $0x48  }
0x5: {  	s11 =	simm.s32 $0xA400;
	s12 =	simm.s32 $0xC8;
	s13 =	simm.s32 $0xC800  }
0x6: {  	s14 =	simm.s32 $0x148;
	s15 =	simm.s32 $0x10800;
	s16 =	simm.s32 $0x1  }
0x7: {  	s17 =	simm.s32 $0x2;
	s18 =	simm.s32 $0x12C00;
	s19 =	simm.s32 $0x0  }
0x8: {  	s6 =	sand.u32 $0x1, s1;
	s7 =	sshll.u32 s0, $0x1;
	s1 =	rddreg [dreg:$0x3]  }
0x9: {  	[smem:$0x7FF] =	sst s3;
	s7 =	sor.u32 s6, s7;
	s6 =	ssub.s32 $0x2, s6  }
0xa: {  	s8 =	smul.u32 $0xC80, s7;
	s7 =	sshll.u32 s7, $0xB;
	s9 =	sshrl.u32 s6, $0x1  }
0xb: {  	_ =	strace $0x80000047;
	s5 =	sadd.s32 s7, s5;
	s6 =	ssub.s32 s6, s9  }
0xc: {  	s7 =	simm.s32 $0x3;
	s9 =	simm.s32 $0x6400;
	s4 =	sadd.s32 s4, s8  }
0xd: {  	s5 =	sadd.s32 $0xA00, s5;
	s6 =	smax.u32 s6, $0x1;
	s8 =	simm.s32 $0x80  }
.LBB2_1:
0xe: {  	[tilespmem:s3], [sflag:$0x3] =	stream.linear.gather [hbm4b:s4+s3], $0x6400, $0x38;
	[tilespmem:$0x16C00] =	vst v63  }
0xf: {  	_ =	swait.ge [sflag:s7], $0x6400  }
0x10: {  	[sflag:s7] =	ssyncset.done $0x0  }
0x11: {  	[sflag:s7] =	ssyncadd.s32 $0xFFFF9C00  }
0x12: {  	[tilespmem:s9], [sflag:$0x1] =	stream.indirect.gather [hbm4b:s2+s8], $0x80, s3, s8, $0xb8;
	[tilespmem:$0x16C00] =	vst v63  }
0x13: {  	_ = 	snop  }
0x14: {  	[tilespmem:s11], [sflag:$0x1] =	stream.indirect.gather [hbm4b:s2+s10], $0x80, s8, s10, $0xb8;
	[tilespmem:$0x16C00] =	vst v63  }
0x15: {  	_ = 	snop  }
0x16: {  	[tilespmem:s13], [sflag:$0x2] =	stream.indirect.gather [hbm4b:s2+s8], $0x80, s12, s8, $0xb8;
	[tilespmem:$0x16C00] =	vst v63  }
0x17: {  	s20 =	simm.s32 $0x0  }
0x18: {  	[tilespmem:s15], [sflag:$0x2] =	stream.indirect.gather [hbm4b:s2+s10], $0x80, s14, s10, $0xb8;
	[tilespmem:$0x16C00] =	vst v63  }
.LBB2_2:
0x19: {  	_ =	swait.ge [sflag:s16], $0x4000  }
0x1a: {  	[sflag:s16] =	ssyncset.done $0x0  }
0x1b: {  	[sflag:s16] =	ssyncadd.s32 $0xFFFFC000  }
0x1c: {  	_ =	swait.ge [sflag:s16], $0x2400  }
0x1d: {  	[sflag:s16] =	ssyncset.done $0x0  }
0x1e: {  	s21 =	simm.s32 $0x0;
	[sflag:s16] =	ssyncadd.s32 $0xFFFFDC00  }
0x1f: {  	v3 =	vld [tilespmem:s21+$0x6580]  }
0x20: {  	v4 =	vld [tilespmem:s21+$0x6590]  }
0x21: {  	v5 =	vld [tilespmem:s21+$0x65A0]  }
0x22: {  	v6 =	vld [tilespmem:s21+$0x65B0]  }
0x23: {  	v0 =	vld [tilespmem:s21+$0x65C0]  }
0x24: {  	v1 =	vld [tilespmem:s21+$0x65D0]  }
0x25: {  	v13 =	vld [tilespmem:s21+$0x6500]  }
0x26: {  	v15 =	vld [tilespmem:s21+$0x6510]  }
0x27: {  	v12 =	vld [tilespmem:s21+$0x6520]  }
0x28: {  	v14 =	vld [tilespmem:s21+$0x6530]  }
0x29: {  	v2 =	vld [tilespmem:s21+$0x6540]  }
0x2a: {  	v9 =	vld [tilespmem:s21+$0x6480]  }
0x2b: {  	v10 =	vld [tilespmem:s21+$0x6490]  }
0x2c: {  	v11 =	vld [tilespmem:s21+$0x6400]  }
0x2d: {  	v17 =	vld [tilespmem:s21+$0x6410]  }
0x2e: {  	v18 =	vld [tilespmem:s21+$0x6420]  }
0x2f: {  	v19 =	vld [tilespmem:s21+$0x6430]  }
0x30: {  	v20 =	vld [tilespmem:s21+$0x64A0]  }
0x31: {  	v24 =	vld [tilespmem:s21+$0x64B0]  }
0x32: {  	v8 =	vimm.f32 $0.0e+00;
	v7 =	vld [tilespmem:s21+$0x6550]  }
0x33: {  	v16 =	vld [tilespmem:s21+$0x64C0];
	v11 =	vadd.f32 v11, v8;
	v22 =	vadd.f32 v17, v8  }
0x34: {  	v17 =	vld [tilespmem:s21+$0x64D0];
	v23 =	vadd.f32 v18, v8;
	v25 =	vadd.f32 v19, v8  }
0x35: {  	v18 =	vld [tilespmem:s21+$0x6440];
	v21 =	vadd.f32 v9, v11;
	v22 =	vadd.f32 v10, v22  }
0x36: {  	v19 =	vld [tilespmem:s21+$0x6450];
	v23 =	vadd.f32 v20, v23;
	v24 =	vadd.f32 v24, v25  }
0x37: {  	s22 =	simm.s32 $0x800;
	v20 =	vld [tilespmem:s21+$0x6460];
	v11 =	vimm.f32 $0.0e+00;
	v10 =	vimm.f32 $0.0e+00;
	v9 =	vimm.f32 $0.0e+00  }
.LBB2_3:
0x38: {  	p0 =	sne.s32 s22, $0x18800;
	v25 =	vld [tilespmem:s21+$0x6470];
	v13 =	vadd.f32 v13, v21;
	v15 =	vadd.f32 v15, v22  }
0x39: {  	v21 =	vld [tilespmem:s21+$0x64E0];
	v12 =	vadd.f32 v12, v23;
	v14 =	vadd.f32 v14, v24  }
0x3a: {  	v22 =	vld [tilespmem:s21+$0x64F0];
	v23 =	vadd.f32 v3, v13;
	v24 =	vadd.f32 v4, v15  }
0x3b: {  	v13 =	vld [tilespmem:s21+$0x6560];
	v26 =	vadd.f32 v5, v12;
	v27 =	vadd.f32 v6, v14  }
0x3c: {  	v3 =	vadd.f32 v18, v8;
	v4 =	vadd.f32 v19, v11;
	v6 =	vld [tilespmem:s21+$0x6570]  }
0x3d: {  	v5 =	vadd.f32 v20, v10;
	v8 =	vadd.f32 v25, v9;
	v9 =	vld [tilespmem:s21+$0x65E0]  }
0x3e: {  	v10 =	vadd.f32 v16, v3;
	v11 =	vadd.f32 v17, v4;
	v12 =	vld [tilespmem:s21+$0x65F0];
	s21 =	sshra.s32 s22, $0x2  }
0x3f: {  	v14 =	vadd.f32 v21, v5;
	v3 =	vld [tilespmem:s21+$0x6580];
	v8 =	vadd.f32 v22, v8  }
0x40: {  	v2 =	vadd.f32 v2, v10;
	v7 =	vadd.f32 v7, v11;
	v4 =	vld [tilespmem:s21+$0x6590]  }
0x41: {  	v10 =	vadd.f32 v13, v14;
	v5 =	vld [tilespmem:s21+$0x65A0];
	v13 =	vadd.f32 v6, v8  }
0x42: {  	v8 =	vadd.f32 v0, v2;
	v11 =	vadd.f32 v1, v7;
	v6 =	vld [tilespmem:s21+$0x65B0]  }
0x43: {  	v10 =	vadd.f32 v9, v10;
	v0 =	vld [tilespmem:s21+$0x65C0];
	v9 =	vadd.f32 v12, v13  }
0x44: {  	v1 =	vld [tilespmem:s21+$0x65D0]  }
0x45: {  	v13 =	vld [tilespmem:s21+$0x6500]  }
0x46: {  	v15 =	vld [tilespmem:s21+$0x6510]  }
0x47: {  	v12 =	vld [tilespmem:s21+$0x6520]  }
0x48: {  	v14 =	vld [tilespmem:s21+$0x6530]  }
0x49: {  	v2 =	vld [tilespmem:s21+$0x6540]  }
0x4a: {  	v7 =	vld [tilespmem:s21+$0x6550]  }
0x4b: {  	v20 =	vld [tilespmem:s21+$0x6480]  }
0x4c: {  	v22 =	vld [tilespmem:s21+$0x6490]  }
0x4d: {  	v17 =	vld [tilespmem:s21+$0x6400]  }
0x4e: {  	v18 =	vld [tilespmem:s21+$0x6410]  }
0x4f: {  	v19 =	vld [tilespmem:s21+$0x6420]  }
0x50: {  	v21 =	vld [tilespmem:s21+$0x6430]  }
0x51: {  	v25 =	vld [tilespmem:s21+$0x64A0]  }
0x52: {  	v28 =	vld [tilespmem:s21+$0x64B0]  }
.Ltmp0:
0x53: {  	v16 =	vld [tilespmem:s21+$0x64C0];
	(pc) =	sbr.rel @p0 .LBB2_3-.Ltmp0, $4  }
0x54: {  	v23 =	vadd.f32 v17, v23;
	v24 =	vadd.f32 v18, v24;
	v17 =	vld [tilespmem:s21+$0x64D0]  }
0x55: {  	v26 =	vadd.f32 v19, v26;
	v27 =	vadd.f32 v21, v27;
	v18 =	vld [tilespmem:s21+$0x6440]  }
0x56: {  	v21 =	vadd.f32 v20, v23;
	v22 =	vadd.f32 v22, v24;
	v19 =	vld [tilespmem:s21+$0x6450]  }
0x57: {  	s22 =	sadd.s32 $0x800, s22;
	v23 =	vadd.f32 v25, v26;
	v20 =	vld [tilespmem:s21+$0x6460];
	v24 =	vadd.f32 v28, v27  }
0x58: {  	v25 =	vld [tilespmem:s21+$0x6470];
	v13 =	vadd.f32 v13, v21;
	v15 =	vadd.f32 v15, v22  }
0x59: {  	v21 =	vld [tilespmem:s21+$0x64E0];
	v12 =	vadd.f32 v12, v23;
	v14 =	vadd.f32 v14, v24  }
0x5a: {  	v22 =	vld [tilespmem:s21+$0x64F0];
	v3 =	vadd.f32 v3, v13;
	v4 =	vadd.f32 v4, v15  }
0x5b: {  	v13 =	vld [tilespmem:s21+$0x6560];
	v8 =	vadd.f32 v18, v8;
	v5 =	vadd.f32 v5, v12  }
0x5c: {  	v15 =	vld [tilespmem:s21+$0x65F0];
	v6 =	vadd.f32 v6, v14;
	v11 =	vadd.f32 v19, v11  }
0x5d: {  	s22 =	sshll.u32 s20, $0x8;
	v12 =	vld [tilespmem:s21+$0x6570];
	v10 =	vadd.f32 v20, v10;
	v8 =	vadd.f32 v16, v8  }
0x5e: {  	v14 =	vld [tilespmem:s21+$0x65E0];
	s21 =	sand.u32 $0x3FFFFF00, s22;
	v9 =	vadd.f32 v25, v9;
	v11 =	vadd.f32 v17, v11  }
0x5f: {  	[tilespmem:s21+$0x12C00] =	vst v3;
	v10 =	vadd.f32 v21, v10;
	v2 =	vadd.f32 v2, v8  }
0x60: {  	[tilespmem:s21+$0x12C10] =	vst v4;
	v3 =	vadd.f32 v22, v9;
	v7 =	vadd.f32 v7, v11  }
0x61: {  	[tilespmem:s21+$0x12C20] =	vst v5;
	v4 =	vadd.f32 v13, v10;
	v0 =	vadd.f32 v0, v2  }
0x62: {  	[tilespmem:s21+$0x12C30] =	vst v6;
	v2 =	vadd.f32 v12, v3;
	v1 =	vadd.f32 v1, v7  }
0x63: {  	s30 =	smul.u32 $0x640, s20;
	v3 =	vadd.f32 v14, v4;
	[tilespmem:s21+$0x12C40] =	vst v0  }
0x64: {  	v0 =	vadd.f32 v15, v2;
	[tilespmem:s21+$0x12C50] =	vst v1  }
0x65: {  	s22 =	sshra.s32 s30, $0x2;
	[tilespmem:s21+$0x12C60] =	vst v3  }
0x66: {  	s23 =	sadd.s32 $0x190, s22;
	[tilespmem:s21+$0x12C70] =	vst v0  }
0x67: {  	[tilespmem:s9], [sflag:$0x1] =	stream.indirect.gather [hbm4b:s2+s8], $0x80, s23, s8, $0xb8;
	[tilespmem:$0x16C00] =	vst v63  }
0x68: {  	s31 =	sadd.s32 $0x210, s22  }
0x69: {  	[tilespmem:s11], [sflag:$0x1] =	stream.indirect.gather [hbm4b:s2+s10], $0x80, s31, s10, $0xb8;
	[tilespmem:$0x16C00] =	vst v63  }
0x6a: {  	_ =	swait.ge [sflag:s17], $0x4000  }
0x6b: {  	[sflag:s17] =	ssyncset.done $0x0  }
0x6c: {  	[sflag:s17] =	ssyncadd.s32 $0xFFFFC000  }
0x6d: {  	_ =	swait.ge [sflag:s17], $0x2400  }
0x6e: {  	[sflag:s17] =	ssyncset.done $0x0  }
0x6f: {  	s23 =	simm.s32 $0x0;
	[sflag:s17] =	ssyncadd.s32 $0xFFFFDC00  }
0x70: {  	v2 =	vld [tilespmem:s23+$0xC980]  }
0x71: {  	v4 =	vld [tilespmem:s23+$0xC990]  }
0x72: {  	v5 =	vld [tilespmem:s23+$0xC9A0]  }
0x73: {  	v6 =	vld [tilespmem:s23+$0xC9B0]  }
0x74: {  	v0 =	vld [tilespmem:s23+$0xC9C0]  }
0x75: {  	v1 =	vld [tilespmem:s23+$0xC9D0]  }
0x76: {  	v13 =	vld [tilespmem:s23+$0xC900]  }
0x77: {  	v15 =	vld [tilespmem:s23+$0xC910]  }
0x78: {  	v12 =	vld [tilespmem:s23+$0xC920]  }
0x79: {  	v14 =	vld [tilespmem:s23+$0xC930]  }
0x7a: {  	v3 =	vld [tilespmem:s23+$0xC940]  }
0x7b: {  	v9 =	vld [tilespmem:s23+$0xC880]  }
0x7c: {  	v10 =	vld [tilespmem:s23+$0xC890]  }
0x7d: {  	v11 =	vld [tilespmem:s23+$0xC800]  }
0x7e: {  	v17 =	vld [tilespmem:s23+$0xC810]  }
0x7f: {  	v18 =	vld [tilespmem:s23+$0xC820]  }
0x80: {  	v19 =	vld [tilespmem:s23+$0xC830]  }
0x81: {  	v20 =	vld [tilespmem:s23+$0xC8A0]  }
0x82: {  	v24 =	vld [tilespmem:s23+$0xC8B0]  }
0x83: {  	v8 =	vimm.f32 $0.0e+00;
	v7 =	vld [tilespmem:s23+$0xC950]  }
0x84: {  	v16 =	vld [tilespmem:s23+$0xC8C0];
	v11 =	vadd.f32 v11, v8;
	v22 =	vadd.f32 v17, v8  }
0x85: {  	v17 =	vld [tilespmem:s23+$0xC8D0];
	v23 =	vadd.f32 v18, v8;
	v25 =	vadd.f32 v19, v8  }
0x86: {  	v18 =	vld [tilespmem:s23+$0xC840];
	v21 =	vadd.f32 v9, v11;
	v22 =	vadd.f32 v10, v22  }
0x87: {  	v19 =	vld [tilespmem:s23+$0xC850];
	v23 =	vadd.f32 v20, v23;
	v24 =	vadd.f32 v24, v25  }
0x88: {  	s24 =	simm.s32 $0x800;
	v20 =	vld [tilespmem:s23+$0xC860];
	v11 =	vimm.f32 $0.0e+00;
	v10 =	vimm.f32 $0.0e+00;
	v9 =	vimm.f32 $0.0e+00  }
.LBB2_5:
0x89: {  	p0 =	sne.s32 s24, $0x18800;
	v25 =	vld [tilespmem:s23+$0xC870];
	v13 =	vadd.f32 v13, v21;
	v15 =	vadd.f32 v15, v22  }
0x8a: {  	v21 =	vld [tilespmem:s23+$0xC8E0];
	v12 =	vadd.f32 v12, v23;
	v14 =	vadd.f32 v14, v24  }
0x8b: {  	v22 =	vld [tilespmem:s23+$0xC8F0];
	v23 =	vadd.f32 v2, v13;
	v24 =	vadd.f32 v4, v15  }
0x8c: {  	v13 =	vld [tilespmem:s23+$0xC960];
	v26 =	vadd.f32 v5, v12;
	v27 =	vadd.f32 v6, v14  }
0x8d: {  	v2 =	vadd.f32 v18, v8;
	v4 =	vadd.f32 v19, v11;
	v6 =	vld [tilespmem:s23+$0xC970]  }
0x8e: {  	v5 =	vadd.f32 v20, v10;
	v8 =	vadd.f32 v25, v9;
	v9 =	vld [tilespmem:s23+$0xC9E0]  }
0x8f: {  	v10 =	vadd.f32 v16, v2;
	v11 =	vadd.f32 v17, v4;
	v12 =	vld [tilespmem:s23+$0xC9F0];
	s23 =	sshra.s32 s24, $0x2  }
0x90: {  	v14 =	vadd.f32 v21, v5;
	v2 =	vld [tilespmem:s23+$0xC980];
	v8 =	vadd.f32 v22, v8  }
0x91: {  	v3 =	vadd.f32 v3, v10;
	v7 =	vadd.f32 v7, v11;
	v4 =	vld [tilespmem:s23+$0xC990]  }
0x92: {  	v10 =	vadd.f32 v13, v14;
	v5 =	vld [tilespmem:s23+$0xC9A0];
	v13 =	vadd.f32 v6, v8  }
0x93: {  	v8 =	vadd.f32 v0, v3;
	v11 =	vadd.f32 v1, v7;
	v6 =	vld [tilespmem:s23+$0xC9B0]  }
0x94: {  	v10 =	vadd.f32 v9, v10;
	v0 =	vld [tilespmem:s23+$0xC9C0];
	v9 =	vadd.f32 v12, v13  }
0x95: {  	v1 =	vld [tilespmem:s23+$0xC9D0]  }
0x96: {  	v13 =	vld [tilespmem:s23+$0xC900]  }
0x97: {  	v15 =	vld [tilespmem:s23+$0xC910]  }
0x98: {  	v12 =	vld [tilespmem:s23+$0xC920]  }
0x99: {  	v14 =	vld [tilespmem:s23+$0xC930]  }
0x9a: {  	v3 =	vld [tilespmem:s23+$0xC940]  }
0x9b: {  	v7 =	vld [tilespmem:s23+$0xC950]  }
0x9c: {  	v20 =	vld [tilespmem:s23+$0xC880]  }
0x9d: {  	v22 =	vld [tilespmem:s23+$0xC890]  }
0x9e: {  	v17 =	vld [tilespmem:s23+$0xC800]  }
0x9f: {  	v18 =	vld [tilespmem:s23+$0xC810]  }
0xa0: {  	v19 =	vld [tilespmem:s23+$0xC820]  }
0xa1: {  	v21 =	vld [tilespmem:s23+$0xC830]  }
0xa2: {  	v25 =	vld [tilespmem:s23+$0xC8A0]  }
0xa3: {  	v28 =	vld [tilespmem:s23+$0xC8B0]  }
.Ltmp1:
0xa4: {  	v16 =	vld [tilespmem:s23+$0xC8C0];
	(pc) =	sbr.rel @p0 .LBB2_5-.Ltmp1, $4  }
0xa5: {  	v23 =	vadd.f32 v17, v23;
	v24 =	vadd.f32 v18, v24;
	v17 =	vld [tilespmem:s23+$0xC8D0]  }
0xa6: {  	v26 =	vadd.f32 v19, v26;
	v27 =	vadd.f32 v21, v27;
	v18 =	vld [tilespmem:s23+$0xC840]  }
0xa7: {  	v21 =	vadd.f32 v20, v23;
	v22 =	vadd.f32 v22, v24;
	v19 =	vld [tilespmem:s23+$0xC850]  }
0xa8: {  	s24 =	sadd.s32 $0x800, s24;
	v23 =	vadd.f32 v25, v26;
	v20 =	vld [tilespmem:s23+$0xC860];
	v24 =	vadd.f32 v28, v27  }
0xa9: {  	v13 =	vadd.f32 v13, v21;
	v15 =	vadd.f32 v15, v22  }
0xaa: {  	v25 =	vld [tilespmem:s23+$0xC870];
	v12 =	vadd.f32 v12, v23;
	v14 =	vadd.f32 v14, v24  }
0xab: {  	v54 =	vld [tilespmem:s23+$0xC8E0];
	v2 =	vadd.f32 v2, v13;
	v4 =	vadd.f32 v4, v15  }
0xac: {  	v55 =	vld [tilespmem:s23+$0xC8F0];
	v8 =	vadd.f32 v18, v8;
	v5 =	vadd.f32 v5, v12  }
0xad: {  	v56 =	vld [tilespmem:s23+$0xC960];
	v6 =	vadd.f32 v6, v14;
	v11 =	vadd.f32 v19, v11  }
0xae: {  	v57 =	vld [tilespmem:s23+$0xC970];
	v10 =	vadd.f32 v20, v10;
	v8 =	vadd.f32 v16, v8  }
0xaf: {  	v58 =	vld [tilespmem:s23+$0xC9E0];
	v9 =	vadd.f32 v25, v9;
	v11 =	vadd.f32 v17, v11  }
0xb0: {  	v59 =	vld [tilespmem:s23+$0xC9F0];
	[tilespmem:s21+$0x12C80] =	vst v2;
	v10 =	vadd.f32 v54, v10;
	v3 =	vadd.f32 v3, v8  }
0xb1: {  	[tilespmem:s21+$0x12C90] =	vst v4;
	v60 =	vadd.f32 v55, v9;
	v7 =	vadd.f32 v7, v11  }
0xb2: {  	[tilespmem:s21+$0x12CA0] =	vst v5;
	v61 =	vadd.f32 v56, v10;
	v0 =	vadd.f32 v0, v3  }
0xb3: {  	[tilespmem:s21+$0x12CB0] =	vst v6;
	v2 =	vadd.f32 v57, v60;
	v1 =	vadd.f32 v1, v7  }
0xb4: {  	s20 =	sadd.s32 $0x1, s20;
	v62 =	vadd.f32 v58, v61;
	[tilespmem:s21+$0x12CC0] =	vst v0  }
0xb5: {  	p0 =	sne.s32 s20, $0x3F;
	v63 =	vadd.f32 v59, v2;
	[tilespmem:s21+$0x12CD0] =	vst v1  }
.Ltmp2:
0xb6: {  	[tilespmem:s21+$0x12CE0] =	vst v62;
	(pc) =	sbr.rel @p0 .LBB2_2-.Ltmp2, $4  }
0xb7: {  	s30 =	sadd.s32 $0x258, s22;
	[tilespmem:s21+$0x12CF0] =	vst v63  }
0xb8: {  	[tilespmem:s13], [sflag:$0x2] =	stream.indirect.gather [hbm4b:s2+s8], $0x80, s30, s8, $0xb8;
	[tilespmem:$0x16C00] =	vst v63  }
0xb9: {  	s31 =	sadd.s32 $0x2D8, s22  }
0xba: {  	[tilespmem:s15], [sflag:$0x2] =	stream.indirect.gather [hbm4b:s2+s10], $0x80, s31, s10, $0xb8;
	[tilespmem:$0x16C00] =	vst v63  }
0xbb: {  	_ =	swait.ge [sflag:s16], $0x4000  }
0xbc: {  	[sflag:s16] =	ssyncset.done $0x0  }
0xbd: {  	[sflag:s16] =	ssyncadd.s32 $0xFFFFC000  }
0xbe: {  	_ =	swait.ge [sflag:s16], $0x2400  }
0xbf: {  	[sflag:s16] =	ssyncset.done $0x0  }
0xc0: {  	s20 =	simm.s32 $0x0;
	[sflag:s16] =	ssyncadd.s32 $0xFFFFDC00  }
0xc1: {  	v2 =	vld [tilespmem:s20+$0x6580]  }
0xc2: {  	v4 =	vld [tilespmem:s20+$0x6590]  }
0xc3: {  	v5 =	vld [tilespmem:s20+$0x65A0]  }
0xc4: {  	v6 =	vld [tilespmem:s20+$0x65B0]  }
0xc5: {  	v0 =	vld [tilespmem:s20+$0x65C0]  }
0xc6: {  	v1 =	vld [tilespmem:s20+$0x65D0]  }
0xc7: {  	v13 =	vld [tilespmem:s20+$0x6500]  }
0xc8: {  	v15 =	vld [tilespmem:s20+$0x6510]  }
0xc9: {  	v12 =	vld [tilespmem:s20+$0x6520]  }
0xca: {  	v14 =	vld [tilespmem:s20+$0x6530]  }
0xcb: {  	v3 =	vld [tilespmem:s20+$0x6540]  }
0xcc: {  	v9 =	vld [tilespmem:s20+$0x6480]  }
0xcd: {  	v10 =	vld [tilespmem:s20+$0x6490]  }
0xce: {  	v11 =	vld [tilespmem:s20+$0x6400]  }
0xcf: {  	v17 =	vld [tilespmem:s20+$0x6410]  }
0xd0: {  	v18 =	vld [tilespmem:s20+$0x6420]  }
0xd1: {  	v19 =	vld [tilespmem:s20+$0x6430]  }
0xd2: {  	v20 =	vld [tilespmem:s20+$0x64A0]  }
0xd3: {  	v24 =	vld [tilespmem:s20+$0x64B0]  }
0xd4: {  	v8 =	vimm.f32 $0.0e+00;
	v7 =	vld [tilespmem:s20+$0x6550]  }
0xd5: {  	v16 =	vld [tilespmem:s20+$0x64C0];
	v11 =	vadd.f32 v11, v8;
	v22 =	vadd.f32 v17, v8  }
0xd6: {  	v17 =	vld [tilespmem:s20+$0x64D0];
	v23 =	vadd.f32 v18, v8;
	v25 =	vadd.f32 v19, v8  }
0xd7: {  	v18 =	vld [tilespmem:s20+$0x6440];
	v21 =	vadd.f32 v9, v11;
	v22 =	vadd.f32 v10, v22  }
0xd8: {  	v19 =	vld [tilespmem:s20+$0x6450];
	v23 =	vadd.f32 v20, v23;
	v24 =	vadd.f32 v24, v25  }
0xd9: {  	s21 =	simm.s32 $0x800;
	v20 =	vld [tilespmem:s20+$0x6460];
	v11 =	vimm.f32 $0.0e+00;
	v10 =	vimm.f32 $0.0e+00;
	v9 =	vimm.f32 $0.0e+00  }
.LBB2_8:
0xda: {  	p0 =	sne.s32 s21, $0x18800;
	v25 =	vld [tilespmem:s20+$0x6470];
	v13 =	vadd.f32 v13, v21;
	v15 =	vadd.f32 v15, v22  }
0xdb: {  	v21 =	vld [tilespmem:s20+$0x64E0];
	v12 =	vadd.f32 v12, v23;
	v14 =	vadd.f32 v14, v24  }
0xdc: {  	v22 =	vld [tilespmem:s20+$0x64F0];
	v23 =	vadd.f32 v2, v13;
	v24 =	vadd.f32 v4, v15  }
0xdd: {  	v13 =	vld [tilespmem:s20+$0x6560];
	v26 =	vadd.f32 v5, v12;
	v27 =	vadd.f32 v6, v14  }
0xde: {  	v2 =	vadd.f32 v18, v8;
	v4 =	vadd.f32 v19, v11;
	v6 =	vld [tilespmem:s20+$0x6570]  }
0xdf: {  	v5 =	vadd.f32 v20, v10;
	v8 =	vadd.f32 v25, v9;
	v9 =	vld [tilespmem:s20+$0x65E0]  }
0xe0: {  	v10 =	vadd.f32 v16, v2;
	v11 =	vadd.f32 v17, v4;
	v12 =	vld [tilespmem:s20+$0x65F0];
	s20 =	sshra.s32 s21, $0x2  }
0xe1: {  	v14 =	vadd.f32 v21, v5;
	v2 =	vld [tilespmem:s20+$0x6580];
	v8 =	vadd.f32 v22, v8  }
0xe2: {  	v3 =	vadd.f32 v3, v10;
	v7 =	vadd.f32 v7, v11;
	v4 =	vld [tilespmem:s20+$0x6590]  }
0xe3: {  	v10 =	vadd.f32 v13, v14;
	v5 =	vld [tilespmem:s20+$0x65A0];
	v13 =	vadd.f32 v6, v8  }
0xe4: {  	v8 =	vadd.f32 v0, v3;
	v11 =	vadd.f32 v1, v7;
	v6 =	vld [tilespmem:s20+$0x65B0]  }
0xe5: {  	v10 =	vadd.f32 v9, v10;
	v0 =	vld [tilespmem:s20+$0x65C0];
	v9 =	vadd.f32 v12, v13  }
0xe6: {  	v1 =	vld [tilespmem:s20+$0x65D0]  }
0xe7: {  	v13 =	vld [tilespmem:s20+$0x6500]  }
0xe8: {  	v15 =	vld [tilespmem:s20+$0x6510]  }
0xe9: {  	v12 =	vld [tilespmem:s20+$0x6520]  }
0xea: {  	v14 =	vld [tilespmem:s20+$0x6530]  }
0xeb: {  	v3 =	vld [tilespmem:s20+$0x6540]  }
0xec: {  	v7 =	vld [tilespmem:s20+$0x6550]  }
0xed: {  	v20 =	vld [tilespmem:s20+$0x6480]  }
0xee: {  	v22 =	vld [tilespmem:s20+$0x6490]  }
0xef: {  	v17 =	vld [tilespmem:s20+$0x6400]  }
0xf0: {  	v18 =	vld [tilespmem:s20+$0x6410]  }
0xf1: {  	v19 =	vld [tilespmem:s20+$0x6420]  }
0xf2: {  	v21 =	vld [tilespmem:s20+$0x6430]  }
0xf3: {  	v25 =	vld [tilespmem:s20+$0x64A0]  }
0xf4: {  	v28 =	vld [tilespmem:s20+$0x64B0]  }
.Ltmp3:
0xf5: {  	v16 =	vld [tilespmem:s20+$0x64C0];
	(pc) =	sbr.rel @p0 .LBB2_8-.Ltmp3, $4  }
0xf6: {  	v23 =	vadd.f32 v17, v23;
	v24 =	vadd.f32 v18, v24;
	v17 =	vld [tilespmem:s20+$0x64D0]  }
0xf7: {  	v26 =	vadd.f32 v19, v26;
	v27 =	vadd.f32 v21, v27;
	v18 =	vld [tilespmem:s20+$0x6440]  }
0xf8: {  	v21 =	vadd.f32 v20, v23;
	v22 =	vadd.f32 v22, v24;
	v19 =	vld [tilespmem:s20+$0x6450]  }
0xf9: {  	s21 =	sadd.s32 $0x800, s21;
	v23 =	vadd.f32 v25, v26;
	v20 =	vld [tilespmem:s20+$0x6460];
	v24 =	vadd.f32 v28, v27  }
0xfa: {  	v13 =	vadd.f32 v13, v21;
	v15 =	vadd.f32 v15, v22  }
0xfb: {  	v25 =	vld [tilespmem:s20+$0x6470];
	v12 =	vadd.f32 v12, v23;
	v14 =	vadd.f32 v14, v24  }
0xfc: {  	v21 =	vld [tilespmem:s20+$0x64E0];
	v2 =	vadd.f32 v2, v13;
	v4 =	vadd.f32 v4, v15  }
0xfd: {  	v22 =	vld [tilespmem:s20+$0x64F0];
	v8 =	vadd.f32 v18, v8;
	v5 =	vadd.f32 v5, v12  }
0xfe: {  	v13 =	vld [tilespmem:s20+$0x6560];
	v6 =	vadd.f32 v6, v14;
	v11 =	vadd.f32 v19, v11  }
0xff: {  	v12 =	vld [tilespmem:s20+$0x6570];
	v10 =	vadd.f32 v20, v10;
	v8 =	vadd.f32 v16, v8  }
0x100: {  	v14 =	vld [tilespmem:s20+$0x65E0];
	v9 =	vadd.f32 v25, v9;
	v11 =	vadd.f32 v17, v11  }
0x101: {  	v15 =	vld [tilespmem:s20+$0x65F0];
	[tilespmem:$0x16B00] =	vst v2;
	v10 =	vadd.f32 v21, v10;
	v3 =	vadd.f32 v3, v8  }
0x102: {  	[tilespmem:$0x16B10] =	vst v4;
	v2 =	vadd.f32 v22, v9;
	v7 =	vadd.f32 v7, v11  }
0x103: {  	[tilespmem:$0x16B20] =	vst v5;
	v4 =	vadd.f32 v13, v10;
	v0 =	vadd.f32 v0, v3  }
0x104: {  	[tilespmem:$0x16B30] =	vst v6;
	v2 =	vadd.f32 v12, v2;
	v1 =	vadd.f32 v1, v7  }
0x105: {  	v3 =	vadd.f32 v14, v4;
	[tilespmem:$0x16B40] =	vst v0  }
0x106: {  	v0 =	vadd.f32 v15, v2;
	[tilespmem:$0x16B50] =	vst v1  }
0x107: {  	[tilespmem:$0x16B60] =	vst v3  }
0x108: {  	[tilespmem:$0x16B70] =	vst v0  }
0x109: {  	_ =	swait.ge [sflag:s17], $0x4000  }
0x10a: {  	[sflag:s17] =	ssyncset.done $0x0  }
0x10b: {  	[sflag:s17] =	ssyncadd.s32 $0xFFFFC000  }
0x10c: {  	_ =	swait.ge [sflag:s17], $0x2400  }
0x10d: {  	[sflag:s17] =	ssyncset.done $0x0  }
0x10e: {  	s20 =	simm.s32 $0x0;
	[sflag:s17] =	ssyncadd.s32 $0xFFFFDC00  }
0x10f: {  	v2 =	vld [tilespmem:s20+$0xC980]  }
0x110: {  	v4 =	vld [tilespmem:s20+$0xC990]  }
0x111: {  	v5 =	vld [tilespmem:s20+$0xC9A0]  }
0x112: {  	v6 =	vld [tilespmem:s20+$0xC9B0]  }
0x113: {  	v0 =	vld [tilespmem:s20+$0xC9C0]  }
0x114: {  	v1 =	vld [tilespmem:s20+$0xC9D0]  }
0x115: {  	v13 =	vld [tilespmem:s20+$0xC900]  }
0x116: {  	v15 =	vld [tilespmem:s20+$0xC910]  }
0x117: {  	v12 =	vld [tilespmem:s20+$0xC920]  }
0x118: {  	v14 =	vld [tilespmem:s20+$0xC930]  }
0x119: {  	v3 =	vld [tilespmem:s20+$0xC940]  }
0x11a: {  	v9 =	vld [tilespmem:s20+$0xC880]  }
0x11b: {  	v10 =	vld [tilespmem:s20+$0xC890]  }
0x11c: {  	v11 =	vld [tilespmem:s20+$0xC800]  }
0x11d: {  	v17 =	vld [tilespmem:s20+$0xC810]  }
0x11e: {  	v18 =	vld [tilespmem:s20+$0xC820]  }
0x11f: {  	v19 =	vld [tilespmem:s20+$0xC830]  }
0x120: {  	v20 =	vld [tilespmem:s20+$0xC8A0]  }
0x121: {  	v24 =	vld [tilespmem:s20+$0xC8B0]  }
0x122: {  	v8 =	vimm.f32 $0.0e+00;
	v7 =	vld [tilespmem:s20+$0xC950]  }
0x123: {  	v16 =	vld [tilespmem:s20+$0xC8C0];
	v11 =	vadd.f32 v11, v8;
	v22 =	vadd.f32 v17, v8  }
0x124: {  	v17 =	vld [tilespmem:s20+$0xC8D0];
	v23 =	vadd.f32 v18, v8;
	v25 =	vadd.f32 v19, v8  }
0x125: {  	v18 =	vld [tilespmem:s20+$0xC840];
	v21 =	vadd.f32 v9, v11;
	v22 =	vadd.f32 v10, v22  }
0x126: {  	v19 =	vld [tilespmem:s20+$0xC850];
	v23 =	vadd.f32 v20, v23;
	v24 =	vadd.f32 v24, v25  }
0x127: {  	s21 =	simm.s32 $0x800;
	v20 =	vld [tilespmem:s20+$0xC860];
	v11 =	vimm.f32 $0.0e+00;
	v10 =	vimm.f32 $0.0e+00;
	v9 =	vimm.f32 $0.0e+00  }
.LBB2_10:
0x128: {  	p0 =	sne.s32 s21, $0x18800;
	v25 =	vld [tilespmem:s20+$0xC870];
	v13 =	vadd.f32 v13, v21;
	v15 =	vadd.f32 v15, v22  }
0x129: {  	v21 =	vld [tilespmem:s20+$0xC8E0];
	v12 =	vadd.f32 v12, v23;
	v14 =	vadd.f32 v14, v24  }
0x12a: {  	v22 =	vld [tilespmem:s20+$0xC8F0];
	v23 =	vadd.f32 v2, v13;
	v24 =	vadd.f32 v4, v15  }
0x12b: {  	v13 =	vld [tilespmem:s20+$0xC960];
	v26 =	vadd.f32 v5, v12;
	v27 =	vadd.f32 v6, v14  }
0x12c: {  	v2 =	vadd.f32 v18, v8;
	v4 =	vadd.f32 v19, v11;
	v6 =	vld [tilespmem:s20+$0xC970]  }
0x12d: {  	v5 =	vadd.f32 v20, v10;
	v8 =	vadd.f32 v25, v9;
	v9 =	vld [tilespmem:s20+$0xC9E0]  }
0x12e: {  	v10 =	vadd.f32 v16, v2;
	v11 =	vadd.f32 v17, v4;
	v12 =	vld [tilespmem:s20+$0xC9F0];
	s20 =	sshra.s32 s21, $0x2  }
0x12f: {  	v14 =	vadd.f32 v21, v5;
	v2 =	vld [tilespmem:s20+$0xC980];
	v8 =	vadd.f32 v22, v8  }
0x130: {  	v3 =	vadd.f32 v3, v10;
	v7 =	vadd.f32 v7, v11;
	v4 =	vld [tilespmem:s20+$0xC990]  }
0x131: {  	v10 =	vadd.f32 v13, v14;
	v5 =	vld [tilespmem:s20+$0xC9A0];
	v13 =	vadd.f32 v6, v8  }
0x132: {  	v8 =	vadd.f32 v0, v3;
	v11 =	vadd.f32 v1, v7;
	v6 =	vld [tilespmem:s20+$0xC9B0]  }
0x133: {  	v10 =	vadd.f32 v9, v10;
	v0 =	vld [tilespmem:s20+$0xC9C0];
	v9 =	vadd.f32 v12, v13  }
0x134: {  	v1 =	vld [tilespmem:s20+$0xC9D0]  }
0x135: {  	v13 =	vld [tilespmem:s20+$0xC900]  }
0x136: {  	v15 =	vld [tilespmem:s20+$0xC910]  }
0x137: {  	v12 =	vld [tilespmem:s20+$0xC920]  }
0x138: {  	v14 =	vld [tilespmem:s20+$0xC930]  }
0x139: {  	v3 =	vld [tilespmem:s20+$0xC940]  }
0x13a: {  	v7 =	vld [tilespmem:s20+$0xC950]  }
0x13b: {  	v20 =	vld [tilespmem:s20+$0xC880]  }
0x13c: {  	v22 =	vld [tilespmem:s20+$0xC890]  }
0x13d: {  	v17 =	vld [tilespmem:s20+$0xC800]  }
0x13e: {  	v18 =	vld [tilespmem:s20+$0xC810]  }
0x13f: {  	v19 =	vld [tilespmem:s20+$0xC820]  }
0x140: {  	v21 =	vld [tilespmem:s20+$0xC830]  }
0x141: {  	v25 =	vld [tilespmem:s20+$0xC8A0]  }
0x142: {  	v28 =	vld [tilespmem:s20+$0xC8B0]  }
.Ltmp4:
0x143: {  	v16 =	vld [tilespmem:s20+$0xC8C0];
	(pc) =	sbr.rel @p0 .LBB2_10-.Ltmp4, $4  }
0x144: {  	v23 =	vadd.f32 v17, v23;
	v24 =	vadd.f32 v18, v24;
	v17 =	vld [tilespmem:s20+$0xC8D0]  }
0x145: {  	v26 =	vadd.f32 v19, v26;
	v27 =	vadd.f32 v21, v27;
	v18 =	vld [tilespmem:s20+$0xC840]  }
0x146: {  	v21 =	vadd.f32 v20, v23;
	v22 =	vadd.f32 v22, v24;
	v19 =	vld [tilespmem:s20+$0xC850]  }
0x147: {  	s21 =	sadd.s32 $0x800, s21;
	v23 =	vadd.f32 v25, v26;
	v20 =	vld [tilespmem:s20+$0xC860];
	v24 =	vadd.f32 v28, v27  }
0x148: {  	v13 =	vadd.f32 v13, v21;
	v15 =	vadd.f32 v15, v22  }
0x149: {  	v25 =	vld [tilespmem:s20+$0xC870];
	v12 =	vadd.f32 v12, v23;
	v14 =	vadd.f32 v14, v24  }
0x14a: {  	v54 =	vld [tilespmem:s20+$0xC8E0];
	v2 =	vadd.f32 v2, v13;
	v4 =	vadd.f32 v4, v15  }
0x14b: {  	v55 =	vld [tilespmem:s20+$0xC8F0];
	v8 =	vadd.f32 v18, v8;
	v5 =	vadd.f32 v5, v12  }
0x14c: {  	v56 =	vld [tilespmem:s20+$0xC960];
	v6 =	vadd.f32 v6, v14;
	v11 =	vadd.f32 v19, v11  }
0x14d: {  	v57 =	vld [tilespmem:s20+$0xC970];
	v10 =	vadd.f32 v20, v10;
	v8 =	vadd.f32 v16, v8  }
0x14e: {  	v58 =	vld [tilespmem:s20+$0xC9E0];
	v9 =	vadd.f32 v25, v9;
	v11 =	vadd.f32 v17, v11  }
0x14f: {  	v59 =	vld [tilespmem:s20+$0xC9F0];
	[tilespmem:$0x16B80] =	vst v2;
	v10 =	vadd.f32 v54, v10;
	v3 =	vadd.f32 v3, v8  }
0x150: {  	[tilespmem:$0x16B90] =	vst v4;
	v60 =	vadd.f32 v55, v9;
	v7 =	vadd.f32 v7, v11  }
0x151: {  	[tilespmem:$0x16BA0] =	vst v5;
	v61 =	vadd.f32 v56, v10;
	v0 =	vadd.f32 v0, v3  }
0x152: {  	[tilespmem:$0x16BB0] =	vst v6;
	v2 =	vadd.f32 v57, v60;
	v1 =	vadd.f32 v1, v7  }
0x153: {  	v62 =	vadd.f32 v58, v61;
	[tilespmem:$0x16BC0] =	vst v0  }
0x154: {  	s19 =	sadd.s32 $0x1, s19;
	v63 =	vadd.f32 v59, v2;
	[tilespmem:$0x16BD0] =	vst v1  }
0x155: {  	p0 =	sne.s32 s19, s6;
	[tilespmem:$0x16BE0] =	vst v62  }
.Ltmp5:
0x156: {  	[tilespmem:$0x16BF0] =	vst v63;
	(pc) =	sbr.rel @p0 .LBB2_1-.Ltmp5, $4  }
0x157: {  	[hbm4b:s5+s3] =	stream.linear.scatter [tilespmem:s18], [sflag:$0x3], $0x4000, $0x38;
	[tilespmem:$0x16C00] =	vst v63  }
0x158: {  	_ =	swait.ge [sflag:s7], $0x4000  }
0x159: {  	[sflag:s7] =	ssyncset.done $0x0  }
0x15a: {  	[sflag:s7] =	ssyncadd.s32 $0xFFFFC000  }
0x15b: {  	_ =	sfence.sel $0x180000  }
0x15c: {  	[bflag:$0x0] =	sbarrier.arrive $0xFFFF  }
0x15d: {  	p0 =	sne.s32 s0, $0x0;
	_ =	strace $0x90000047  }
0x15e: {  	s0 =	sadd.s32 @!p0 $0x100000, s1;
	[bflag:$0x2] =	sbarrier.arrive $0xFFFF  }
0x15f: {  	[sflag:s0] =	ssyncadd.tile.s32 @!p0 $0x1;
	_ =	shalt  }
.Lfunc_end2:
_tile_overlayer_lowered:
.L_overlay_start_2:
0x160: {  	(tag) =	ssettag $0x2  }
0x161: {  	s0 =	rddreg [dreg:$0x0];
	s2 =	stileid.u32  }
0x162: {  	s1 =	rddreg [dreg:$0x1];
	p0 =	sne.s32 s2, $0x0  }
0x163: {  	s3 =	rddreg [dreg:$0x2];
	[bflag:$0x3] =	sbarrier.arrive $0xFFFF;
	s2 =	simm.s32 @!p0 $0x1C03  }
0x164: {  	[timem:s3], [sflag:s2] =	dma.local @!p0 [hbm:s0], s1  }
0x165: {  	s0 =	simm.s32 @!p0 $0x3  }
0x166: {  	_ =	swait.ge @!p0 [sflag:s0], s1  }
0x167: {  	s1 =	ssub.s32 @!p0 $0x0, s1;
	[sflag:s0] =	ssyncset.done @!p0 $0x0  }
0x168: {  	[sflag:s0] =	ssyncadd.s32 @!p0 s1  }
0x169: {  	[bflag:$0x3] =	sbarrier.arrive $0xFFFF  }
0x16a: {  	_ =	shalt  }

</sc_bundles>
